<compile_context>
chip_gen: v7x
topology: tpu7x:2x2x1
jax: 0.10.2.dev20260603
libtpu: 0.0.44.dev20260713+nightly
codegen_flags: <defaults>
</compile_context>

<pallas_src>
import functools

import jax
import jax.numpy as jnp
from jax import lax
from jax.experimental import pallas as pl
from jax.experimental.pallas import tpu as pltpu
from jax.experimental.pallas import tpu_sc as plsc

_NC = 2
_NS = 16
_NW = _NC * _NS
_L = 16

_N_TOTAL = 64 * 512 * 512
_IMGS = 64
_ROWS = 512
_COLS = 512
_IMG_PER_W = _IMGS // _NW
_R_CHUNK = 32
_CHUNK = _R_CHUNK * _COLS
_N_CHUNKS = _IMG_PER_W * _ROWS // _R_CHUNK
_CPI = _ROWS // _R_CHUNK
_UNROLL = 2

_NBINS = 128
_HA_WORDS = _NBINS * _L
_HB_WORDS = _NBINS * _L
_ROW = 3 * _NBINS


def _sc_hist(
    in_hbm,
    tg_hbm,
    out_hbm,
    buf_a0,
    buf_b0,
    buf_a1,
    buf_b1,
    sem0,
    sem1,
    hist_a,
    hist_b,
    out_row,
):
    wid = lax.axis_index("s") * _NC + lax.axis_index("c")
    lane = lax.broadcasted_iota(jnp.int32, (_L,), 0)
    ones = jnp.ones((_L,), jnp.int32)
    zeros = jnp.zeros((_L,), jnp.int32)
    magic = jnp.float32(2.0**19) + lane.astype(jnp.float32) * jnp.float32(0.0625)

    def zero_a(j, carry):
        hist_a[pl.ds(j * _L, _L)] = zeros
        return carry

    lax.fori_loop(0, _HA_WORDS // _L, zero_a, 0)

    def zero_b(j, carry):
        hist_b[pl.ds(j * _L, _L)] = zeros
        return carry

    lax.fori_loop(0, _HB_WORDS // _L, zero_b, 0)

    bufs = ((buf_a0, buf_b0, sem0), (buf_a1, buf_b1, sem1))

    def start(c, slot):
        ba, bb, sem = bufs[slot]
        img = _IMG_PER_W * wid + c // _CPI
        r0 = (c % _CPI) * _R_CHUNK
        pltpu.async_copy(in_hbm.at[img, pl.ds(r0, _R_CHUNK), :], ba, sem)
        pltpu.async_copy(tg_hbm.at[img, pl.ds(r0, _R_CHUNK), :], bb, sem)

    def wait(slot):
        ba, bb, sem = bufs[slot]
        pltpu.make_async_copy(in_hbm.at[0, pl.ds(0, _R_CHUNK), :], ba, sem).wait()
        pltpu.make_async_copy(tg_hbm.at[0, pl.ds(0, _R_CHUNK), :], bb, sem).wait()

    def consume(slot):
        ba, bb, _ = bufs[slot]

        @plsc.parallel_loop(0, _CHUNK // _L, unroll=_UNROLL)
        def _inner(i):
            r = i // (_COLS // _L)
            o = (i % (_COLS // _L)) * _L
            af = ba[r, pl.ds(o, _L)]
            bf = bb[r, pl.ds(o, _L)]
            val = jnp.where(af == bf, 65537, 1)
            idx_a = jnp.bitwise_and(plsc.bitcast(af + magic, jnp.int32), 0x7FF)
            idx_b = jnp.bitwise_and(plsc.bitcast(bf + magic, jnp.int32), 0x7FF)
            plsc.addupdate_scatter(hist_a, [idx_a], val)
            plsc.addupdate_scatter(hist_b, [idx_b], ones)

    start(0, 0)

    def chunk_body(it, carry):
        c = 2 * it
        wait(0)

        @pl.when(c + 1 < _N_CHUNKS)
        def _():
            start(c + 1, 1)

        consume(0)
        wait(1)

        @pl.when(c + 2 < _N_CHUNKS)
        def _():
            start(c + 2, 0)

        consume(1)
        return carry

    lax.fori_loop(0, _N_CHUNKS // 2, chunk_body, 0)

    def red_a(g, carry):
        acc_lo = zeros
        acc_hi = zeros
        for l in range(_L):
            v = plsc.load_gather(hist_a, [g * (_L * _L) + lane * _L + l])
            acc_lo = acc_lo + jnp.bitwise_and(v, 0xFFFF)
            acc_hi = acc_hi + lax.shift_right_logical(v, 16)
        out_row[pl.ds(g * _L, _L)] = acc_lo
        out_row[pl.ds(_NBINS + g * _L, _L)] = acc_hi
        return carry

    lax.fori_loop(0, _NBINS // _L, red_a, 0)

    def red_b(g, carry):
        acc = zeros
        for l in range(_L):
            acc = acc + plsc.load_gather(hist_b, [g * (_L * _L) + lane * _L + l])
        out_row[pl.ds(2 * _NBINS + g * _L, _L)] = acc
        return carry

    lax.fori_loop(0, _NBINS // _L, red_b, 0)

    pltpu.sync_copy(out_row, out_hbm.at[wid])


def _iou_epilogue(hist_ref, smooth_ref, out_ref):
    h = hist_ref[...].astype(jnp.float32)
    s = jnp.sum(h, axis=0, keepdims=True)
    ca = s[:, 0:_NBINS]
    hi = s[:, _NBINS : 2 * _NBINS]
    cb = s[:, 2 * _NBINS : 3 * _NBINS]
    union = ca + cb - hi
    valid = (union != 0.0).astype(jnp.float32)
    sm = smooth_ref[0, 0]
    iou = (hi + sm) / (union + sm)
    num = jnp.sum(valid, keepdims=True)
    tot = jnp.sum(iou * valid, keepdims=True)
    out_ref[...] = (tot / num).reshape(1, 1)


def kernel(inputs, targets, smooth=1):
    sc_call = pl.kernel(
        _sc_hist,
        out_type=jax.ShapeDtypeStruct((_NW, _ROW), jnp.int32),
        mesh=plsc.VectorSubcoreMesh(core_axis_name="c", subcore_axis_name="s"),
        compiler_params=pltpu.CompilerParams(
            needs_layout_passes=False, use_tc_tiling_on_sc=True
        ),
        scratch_types=[
            pltpu.VMEM((_R_CHUNK, _COLS), jnp.float32),
            pltpu.VMEM((_R_CHUNK, _COLS), jnp.float32),
            pltpu.VMEM((_R_CHUNK, _COLS), jnp.float32),
            pltpu.VMEM((_R_CHUNK, _COLS), jnp.float32),
            pltpu.SemaphoreType.DMA,
            pltpu.SemaphoreType.DMA,
            pltpu.VMEM((_HA_WORDS,), jnp.int32),
            pltpu.VMEM((_HB_WORDS,), jnp.int32),
            pltpu.VMEM((_ROW,), jnp.int32),
        ],
    )
    hists = sc_call(inputs, targets)

    smooth_arr = jnp.float32(smooth).reshape(1, 1)
    out = pl.pallas_call(
        _iou_epilogue,
        out_shape=jax.ShapeDtypeStruct((1, 1), jnp.float32),
        in_specs=[
            pl.BlockSpec(memory_space=pltpu.VMEM),
            pl.BlockSpec(memory_space=pltpu.SMEM),
        ],
        out_specs=pl.BlockSpec(memory_space=pltpu.VMEM),
    )(hists, smooth_arr)
    return out[0, 0]

# --- scband reference (transcript-rebuilt; emitter-appended) ---
"""Pipeline reference for scband-m-io-uestimator-44470091383038 (READ-ONLY COPY).

The authoritative reference and input builder live on the scoring server;
editing this copy changes nothing except your own understanding.
"""

import jax, jax.numpy as jnp
import numpy as np

N_CLASSES = 91


def setup_inputs(seed: int = 0) -> dict:
    key = jax.random.key(seed)
    k1, k2 = jax.random.split(key)
    shape = (64, 512, 512)
    inputs = jax.random.randint(k1, shape, 0, N_CLASSES).astype(jnp.float32)
    targets = jax.random.randint(k2, shape, 0, N_CLASSES).astype(jnp.float32)
    return {"inputs": inputs, "targets": targets, "smooth": 1}


def reference(inputs, targets, smooth=1):
    # Flatten, exactly as inputs.view(-1) / targets.view(-1)
    inputs = inputs.reshape(-1)
    targets = targets.reshape(-1)
    idx_in = inputs.astype(jnp.int32)
    idx_tg = targets.astype(jnp.int32)
    # For each class i:
    #   a = indicator(inputs == i), b = indicator(targets == i)
    #   intersection_i = sum(a*b) -> count of positions where inputs==targets==i
    #   total_i = sum(a) + sum(b); union_i = total_i - intersection_i
    count_a = jnp.bincount(idx_in, length=N_CLASSES).astype(jnp.float32)
    count_b = jnp.bincount(idx_tg, length=N_CLASSES).astype(jnp.float32)
    match = (idx_in == idx_tg).astype(jnp.float32)
    inter = jnp.bincount(idx_in, weights=match, length=N_CLASSES).astype(jnp.float32)
    union = count_a + count_b - inter
    valid = (union != 0).astype(jnp.float32)
    smooth_f = jnp.float32(smooth)
    iou = (inter + smooth_f) / (union + smooth_f)
    sum_iou = jnp.sum(iou * valid)
    num_classes = jnp.sum(valid)
    return sum_iou / num_classes

if __name__ == "__main__":
    import jax
    _d = setup_inputs()
    print(jax.jit(kernel)(*tuple(_d.values())))

</pallas_src>

<mosaic_0001>
#map = affine_map<(d0, d1) -> (0, 0, 0)>
#map1 = affine_map<(d0, d1) -> (0, 0)>
module attributes {stable_mosaic.version = 14 : i64} {
  func.func @_sc_hist(%arg0: i32, %arg1: i32, %arg2: memref<64x512x512xf32, #tpu.memory_space<hbm>>, %arg3: memref<64x512x512xf32, #tpu.memory_space<hbm>>, %arg4: memref<32x384xi32, #tpu.memory_space<hbm>>, %arg5: memref<32x512xf32, #tpu.memory_space<vmem>>, %arg6: memref<32x512xf32, #tpu.memory_space<vmem>>, %arg7: memref<32x512xf32, #tpu.memory_space<vmem>>, %arg8: memref<32x512xf32, #tpu.memory_space<vmem>>, %arg9: memref<!tpu.dma_semaphore, #tpu.memory_space<semaphore_mem>>, %arg10: memref<!tpu.dma_semaphore, #tpu.memory_space<semaphore_mem>>, %arg11: memref<2048xi32, #tpu.memory_space<vmem>>, %arg12: memref<2048xi32, #tpu.memory_space<vmem>>, %arg13: memref<384xi32, #tpu.memory_space<vmem>>) attributes {dimension_semantics = [#tpu.dimension_semantics<core_parallel>, #tpu.dimension_semantics<subcore_parallel>], iteration_bounds = array<i64: 2, 16>, scalar_prefetch = 0 : i64, scratch_operands = 9 : i64, tpu.core_type = #tpu.core_type<sc_vector_subcore>, window_params = [{transform_indices = #map}, {transform_indices = #map}, {transform_indices = #map1}]} {
    %mul3A = arith.constant 2 : i32
    %mul3A_0 = arith.muli %arg1, %mul3A : i32
    %add3A = arith.addi %mul3A_0, %arg0 : i32
    %iota3A = tpu.iota {dimensions = array<i32: 0>} : vector<16xi32>
    %broadcast_in_dim3A = arith.constant 1 : i32
    %broadcast_in_dim3A_1 = vector.broadcast %broadcast_in_dim3A : i32 to vector<16xi32>
    %broadcast_in_dim3A_2 = arith.constant 0 : i32
    %broadcast_in_dim3A_3 = vector.broadcast %broadcast_in_dim3A_2 : i32 to vector<16xi32>
    %convert_element_type3A = arith.sitofp %iota3A : vector<16xi32> to vector<16xf32>
    %mul3A_4 = arith.constant 6.250000e-02 : f32
    %mul3A_5 = vector.broadcast %mul3A_4 : f32 to vector<16xf32>
    %mul3A_6 = arith.mulf %convert_element_type3A, %mul3A_5 : vector<16xf32>
    %add3A_7 = arith.constant 5.242880e+05 : f32
    %add3A_8 = vector.broadcast %add3A_7 : f32 to vector<16xf32>
    %add3A_9 = arith.addf %add3A_8, %mul3A_6 : vector<16xf32>
    %scan3A = arith.constant 0 : i32
    %scan3A_10 = arith.constant 0 : i32
    %scan3A_11 = arith.constant 128 : i32
    %scan3A_12 = arith.addi %scan3A_10, %scan3A_11 : i32
    %scan3A_13 = arith.constant 1 : i32
    scf.for %scan3A_58 = %scan3A_10 to %scan3A_12 step %scan3A_13  : i32 {
      %mul3A_59 = arith.constant 16 : i32
      %mul3A_60 = arith.muli %scan3A_58, %mul3A_59 : i32
      %swap3A = arith.index_cast %mul3A_60 : i32 to index
      %swap3A_61 = tpu.vector_load %arg11[%swap3A] {strides = array<i32>} : memref<2048xi32, #tpu.memory_space<vmem>>, vector<16xi32>,
      tpu.vector_store %arg11[%swap3A], %broadcast_in_dim3A_3 {strides = array<i32>} : memref<2048xi32, #tpu.memory_space<vmem>>, vector<16xi32>,
    }
    %scan3A_14 = arith.constant 128 : i32
    %scan3A_15 = arith.constant 0 : i32
    %scan3A_16 = arith.constant 0 : i32
    %scan3A_17 = arith.constant 128 : i32
    %scan3A_18 = arith.addi %scan3A_16, %scan3A_17 : i32
    %scan3A_19 = arith.constant 1 : i32
    scf.for %scan3A_58 = %scan3A_16 to %scan3A_18 step %scan3A_19  : i32 {
      %mul3A_59 = arith.constant 16 : i32
      %mul3A_60 = arith.muli %scan3A_58, %mul3A_59 : i32
      %swap3A = arith.index_cast %mul3A_60 : i32 to index
      %swap3A_61 = tpu.vector_load %arg12[%swap3A] {strides = array<i32>} : memref<2048xi32, #tpu.memory_space<vmem>>, vector<16xi32>,
      tpu.vector_store %arg12[%swap3A], %broadcast_in_dim3A_3 {strides = array<i32>} : memref<2048xi32, #tpu.memory_space<vmem>>, vector<16xi32>,
    }
    %scan3A_20 = arith.constant 128 : i32
    %mul3A_21 = arith.constant 2 : i32
    %mul3A_22 = arith.muli %mul3A_21, %add3A : i32
    %add3A_23 = arith.constant 0 : i32
    %add3A_24 = arith.addi %mul3A_22, %add3A_23 : i32
    %dma_start3A = arith.constant 0 : i32
    %dma_start3A_25 = arith.constant 0 : i32
    %dma_start3A_26 = tpu.memref_slice %arg2[%add3A_24, %dma_start3A, %dma_start3A_25] : memref<64x512x512xf32, #tpu.memory_space<hbm>> -> memref<1x32x512xf32, #tpu.memory_space<hbm>>
    %dma_start3A_27 = tpu.memref_squeeze %dma_start3A_26 : memref<1x32x512xf32, #tpu.memory_space<hbm>> -> memref<32x512xf32, #tpu.memory_space<hbm>>
    %dma_start3A_28 = arith.constant 0 : i32
    %dma_start3A_29 = arith.constant 0 : i32
    %dma_start3A_30 = tpu.memref_slice %arg2[%add3A_24, %dma_start3A_28, %dma_start3A_29] : memref<64x512x512xf32, #tpu.memory_space<hbm>> -> memref<1x32x512xf32, #tpu.memory_space<hbm>>
    %dma_start3A_31 = tpu.memref_squeeze %dma_start3A_30 : memref<1x32x512xf32, #tpu.memory_space<hbm>> -> memref<32x512xf32, #tpu.memory_space<hbm>>
    tpu.enqueue_dma source(%dma_start3A_31 : memref<32x512xf32, #tpu.memory_space<hbm>>) target(%arg5 : memref<32x512xf32, #tpu.memory_space<vmem>>) target_semaphore(%arg9 : memref<!tpu.dma_semaphore, #tpu.memory_space<semaphore_mem>>)
    %dma_start3A_32 = arith.constant 0 : i32
    %dma_start3A_33 = arith.constant 0 : i32
    %dma_start3A_34 = tpu.memref_slice %arg3[%add3A_24, %dma_start3A_32, %dma_start3A_33] : memref<64x512x512xf32, #tpu.memory_space<hbm>> -> memref<1x32x512xf32, #tpu.memory_space<hbm>>
    %dma_start3A_35 = tpu.memref_squeeze %dma_start3A_34 : memref<1x32x512xf32, #tpu.memory_space<hbm>> -> memref<32x512xf32, #tpu.memory_space<hbm>>
    %dma_start3A_36 = arith.constant 0 : i32
    %dma_start3A_37 = arith.constant 0 : i32
    %dma_start3A_38 = tpu.memref_slice %arg3[%add3A_24, %dma_start3A_36, %dma_start3A_37] : memref<64x512x512xf32, #tpu.memory_space<hbm>> -> memref<1x32x512xf32, #tpu.memory_space<hbm>>
    %dma_start3A_39 = tpu.memref_squeeze %dma_start3A_38 : memref<1x32x512xf32, #tpu.memory_space<hbm>> -> memref<32x512xf32, #tpu.memory_space<hbm>>
    tpu.enqueue_dma source(%dma_start3A_39 : memref<32x512xf32, #tpu.memory_space<hbm>>) target(%arg6 : memref<32x512xf32, #tpu.memory_space<vmem>>) target_semaphore(%arg9 : memref<!tpu.dma_semaphore, #tpu.memory_space<semaphore_mem>>)
    %scan3A_40 = arith.constant 0 : i32
    %scan3A_41 = arith.constant 0 : i32
    %scan3A_42 = arith.constant 16 : i32
    %scan3A_43 = arith.addi %scan3A_41, %scan3A_42 : i32
    %scan3A_44 = arith.constant 1 : i32
    scf.for %scan3A_58 = %scan3A_41 to %scan3A_43 step %scan3A_44  : i32 {
      %mul3A_59 = arith.constant 2 : i32
      %mul3A_60 = arith.muli %mul3A_59, %scan3A_58 : i32
      %dma_wait3A = arith.constant 0 : i32
      %dma_wait3A_61 = arith.constant 0 : i32
      %dma_wait3A_62 = arith.constant 0 : i32
      %dma_wait3A_63 = tpu.memref_slice %arg2[%dma_wait3A, %dma_wait3A_61, %dma_wait3A_62] : memref<64x512x512xf32, #tpu.memory_space<hbm>> -> memref<1x32x512xf32, #tpu.memory_space<hbm>>
      %dma_wait3A_64 = tpu.memref_squeeze %dma_wait3A_63 : memref<1x32x512xf32, #tpu.memory_space<hbm>> -> memref<32x512xf32, #tpu.memory_space<hbm>>
      %dma_wait3A_65 = arith.constant 0 : i32
      %dma_wait3A_66 = arith.constant 0 : i32
      %dma_wait3A_67 = tpu.memref_slice %arg2[%dma_wait3A, %dma_wait3A_65, %dma_wait3A_66] : memref<64x512x512xf32, #tpu.memory_space<hbm>> -> memref<1x32x512xf32, #tpu.memory_space<hbm>>
      %dma_wait3A_68 = tpu.memref_squeeze %dma_wait3A_67 : memref<1x32x512xf32, #tpu.memory_space<hbm>> -> memref<32x512xf32, #tpu.memory_space<hbm>>
      tpu.wait_dma2 semaphore(%arg9 : memref<!tpu.dma_semaphore, #tpu.memory_space<semaphore_mem>>) src(%dma_wait3A_68 : memref<32x512xf32, #tpu.memory_space<hbm>>) dst(%arg5 : memref<32x512xf32, #tpu.memory_space<vmem>>)
      %dma_wait3A_69 = arith.constant 0 : i32
      %dma_wait3A_70 = arith.constant 0 : i32
      %dma_wait3A_71 = arith.constant 0 : i32
      %dma_wait3A_72 = tpu.memref_slice %arg3[%dma_wait3A_69, %dma_wait3A_70, %dma_wait3A_71] : memref<64x512x512xf32, #tpu.memory_space<hbm>> -> memref<1x32x512xf32, #tpu.memory_space<hbm>>
      %dma_wait3A_73 = tpu.memref_squeeze %dma_wait3A_72 : memref<1x32x512xf32, #tpu.memory_space<hbm>> -> memref<32x512xf32, #tpu.memory_space<hbm>>
      %dma_wait3A_74 = arith.constant 0 : i32
      %dma_wait3A_75 = arith.constant 0 : i32
      %dma_wait3A_76 = tpu.memref_slice %arg3[%dma_wait3A_69, %dma_wait3A_74, %dma_wait3A_75] : memref<64x512x512xf32, #tpu.memory_space<hbm>> -> memref<1x32x512xf32, #tpu.memory_space<hbm>>
      %dma_wait3A_77 = tpu.memref_squeeze %dma_wait3A_76 : memref<1x32x512xf32, #tpu.memory_space<hbm>> -> memref<32x512xf32, #tpu.memory_space<hbm>>
      tpu.wait_dma2 semaphore(%arg9 : memref<!tpu.dma_semaphore, #tpu.memory_space<semaphore_mem>>) src(%dma_wait3A_77 : memref<32x512xf32, #tpu.memory_space<hbm>>) dst(%arg6 : memref<32x512xf32, #tpu.memory_space<vmem>>)
      %add3A_78 = arith.constant 1 : i32
      %add3A_79 = arith.addi %mul3A_60, %add3A_78 : i32
      %lt3A = arith.constant 32 : i32
      %lt3A_80 = arith.cmpi slt, %add3A_79, %lt3A : i32
      %convert_element_type3A_81 = arith.extui %lt3A_80 : i1 to i32
      %cond3A = arith.constant 0 : i32
      %cond3A_82 = arith.cmpi ne, %convert_element_type3A_81, %cond3A : i32
      scf.if %cond3A_82 {
        %add3A_113 = arith.constant 1 : i32
        %add3A_114 = arith.addi %mul3A_60, %add3A_113 : i32
        %mul3A_115 = arith.constant 2 : i32
        %mul3A_116 = arith.muli %mul3A_115, %add3A : i32
        %jit3A = arith.constant 16 : i32
        %div3A = arith.divsi %add3A_114, %jit3A : i32
        %sign3A = arith.constant 0 : i32
        %sign3A_117 = arith.cmpi sgt, %add3A_114, %sign3A : i32
        %sign3A_118 = arith.extui %sign3A_117 : i1 to i32
        %sign3A_119 = arith.constant 0 : i32
        %sign3A_120 = arith.cmpi slt, %add3A_114, %sign3A_119 : i32
        %sign3A_121 = arith.extui %sign3A_120 : i1 to i32
        %sign3A_122 = arith.subi %sign3A_118, %sign3A_121 : i32
        %sign3A_123 = arith.constant 0 : i32
        %sign3A_124 = arith.cmpi sgt, %jit3A, %sign3A_123 : i32
        %sign3A_125 = arith.extui %sign3A_124 : i1 to i32
        %sign3A_126 = arith.constant 0 : i32
        %sign3A_127 = arith.cmpi slt, %jit3A, %sign3A_126 : i32
        %sign3A_128 = arith.extui %sign3A_127 : i1 to i32
        %sign3A_129 = arith.subi %sign3A_125, %sign3A_128 : i32
        %ne3A = arith.cmpi ne, %sign3A_122, %sign3A_129 : i32
        %rem3A = arith.remsi %add3A_114, %jit3A : i32
        %ne3A_130 = arith.constant 0 : i32
        %ne3A_131 = arith.cmpi ne, %rem3A, %ne3A_130 : i32
        %and3A = arith.andi %ne3A, %ne3A_131 : i1
        %sub3A = arith.constant 1 : i32
        %sub3A_132 = arith.subi %div3A, %sub3A : i32
        %select_n3A = arith.select %and3A, %sub3A_132, %div3A : i32
        %add3A_133 = arith.addi %mul3A_116, %select_n3A : i32
        %jit3A_134 = arith.constant 16 : i32
        %eq3A = arith.constant 0 : i32
        %eq3A_135 = arith.cmpi eq, %jit3A_134, %eq3A : i32
        %jit3A_136 = arith.constant 1 : i32
        %select_n3A_137 = arith.select %eq3A_135, %jit3A_136, %jit3A_134 : i32
        %rem3A_138 = arith.remsi %add3A_114, %select_n3A_137 : i32
        %ne3A_139 = arith.constant 0 : i32
        %ne3A_140 = arith.cmpi ne, %rem3A_138, %ne3A_139 : i32
        %lt3A_141 = arith.constant 0 : i32
        %lt3A_142 = arith.cmpi slt, %rem3A_138, %lt3A_141 : i32
        %lt3A_143 = arith.constant 0 : i32
        %lt3A_144 = arith.cmpi slt, %select_n3A_137, %lt3A_143 : i32
        %ne3A_145 = arith.xori %lt3A_142, %lt3A_144 : i1
        %and3A_146 = arith.andi %ne3A_145, %ne3A_140 : i1
        %add3A_147 = arith.addi %rem3A_138, %select_n3A_137 : i32
        %select_n3A_148 = arith.select %and3A_146, %add3A_147, %rem3A_138 : i32
        %mul3A_149 = arith.constant 32 : i32
        %mul3A_150 = arith.muli %select_n3A_148, %mul3A_149 : i32
        %dma_start3A_151 = arith.constant 0 : i32
        %dma_start3A_152 = tpu.memref_slice %arg2[%add3A_133, %mul3A_150, %dma_start3A_151] : memref<64x512x512xf32, #tpu.memory_space<hbm>> -> memref<1x32x512xf32, #tpu.memory_space<hbm>>
        %dma_start3A_153 = tpu.memref_squeeze %dma_start3A_152 : memref<1x32x512xf32, #tpu.memory_space<hbm>> -> memref<32x512xf32, #tpu.memory_space<hbm>>
        %dma_start3A_154 = arith.constant 0 : i32
        %dma_start3A_155 = tpu.memref_slice %arg2[%add3A_133, %mul3A_150, %dma_start3A_154] : memref<64x512x512xf32, #tpu.memory_space<hbm>> -> memref<1x32x512xf32, #tpu.memory_space<hbm>>
        %dma_start3A_156 = tpu.memref_squeeze %dma_start3A_155 : memref<1x32x512xf32, #tpu.memory_space<hbm>> -> memref<32x512xf32, #tpu.memory_space<hbm>>
        tpu.enqueue_dma source(%dma_start3A_156 : memref<32x512xf32, #tpu.memory_space<hbm>>) target(%arg7 : memref<32x512xf32, #tpu.memory_space<vmem>>) target_semaphore(%arg10 : memref<!tpu.dma_semaphore, #tpu.memory_space<semaphore_mem>>)
        %dma_start3A_157 = arith.constant 0 : i32
        %dma_start3A_158 = tpu.memref_slice %arg3[%add3A_133, %mul3A_150, %dma_start3A_157] : memref<64x512x512xf32, #tpu.memory_space<hbm>> -> memref<1x32x512xf32, #tpu.memory_space<hbm>>
        %dma_start3A_159 = tpu.memref_squeeze %dma_start3A_158 : memref<1x32x512xf32, #tpu.memory_space<hbm>> -> memref<32x512xf32, #tpu.memory_space<hbm>>
        %dma_start3A_160 = arith.constant 0 : i32
        %dma_start3A_161 = tpu.memref_slice %arg3[%add3A_133, %mul3A_150, %dma_start3A_160] : memref<64x512x512xf32, #tpu.memory_space<hbm>> -> memref<1x32x512xf32, #tpu.memory_space<hbm>>
        %dma_start3A_162 = tpu.memref_squeeze %dma_start3A_161 : memref<1x32x512xf32, #tpu.memory_space<hbm>> -> memref<32x512xf32, #tpu.memory_space<hbm>>
        tpu.enqueue_dma source(%dma_start3A_162 : memref<32x512xf32, #tpu.memory_space<hbm>>) target(%arg8 : memref<32x512xf32, #tpu.memory_space<vmem>>) target_semaphore(%arg10 : memref<!tpu.dma_semaphore, #tpu.memory_space<semaphore_mem>>)
      } else {
      }
      %parallel_loop3A = arith.constant 0 : i32
      %parallel_loop3A_83 = arith.constant 1024 : i32
      %parallel_loop3A_84 = arith.constant 1 : i32
      scf.for %parallel_loop3A_113 = %parallel_loop3A to %parallel_loop3A_83 step %parallel_loop3A_84  : i32 {
        %parallel_loop3A_114 = arith.constant 32 : i32
        %parallel_loop3A_115 = arith.divsi %parallel_loop3A_113, %parallel_loop3A_114 : i32
        %parallel_loop3A_116 = arith.constant 0 : i32
        %parallel_loop3A_117 = arith.cmpi sgt, %parallel_loop3A_113, %parallel_loop3A_116 : i32
        %parallel_loop3A_118 = arith.extui %parallel_loop3A_117 : i1 to i32
        %parallel_loop3A_119 = arith.constant 0 : i32
        %parallel_loop3A_120 = arith.cmpi slt, %parallel_loop3A_113, %parallel_loop3A_119 : i32
        %parallel_loop3A_121 = arith.extui %parallel_loop3A_120 : i1 to i32
        %parallel_loop3A_122 = arith.subi %parallel_loop3A_118, %parallel_loop3A_121 : i32
        %parallel_loop3A_123 = arith.constant 0 : i32
        %parallel_loop3A_124 = arith.cmpi sgt, %parallel_loop3A_114, %parallel_loop3A_123 : i32
        %parallel_loop3A_125 = arith.extui %parallel_loop3A_124 : i1 to i32
        %parallel_loop3A_126 = arith.constant 0 : i32
        %parallel_loop3A_127 = arith.cmpi slt, %parallel_loop3A_114, %parallel_loop3A_126 : i32
        %parallel_loop3A_128 = arith.extui %parallel_loop3A_127 : i1 to i32
        %parallel_loop3A_129 = arith.subi %parallel_loop3A_125, %parallel_loop3A_128 : i32
        %parallel_loop3A_130 = arith.cmpi ne, %parallel_loop3A_122, %parallel_loop3A_129 : i32
        %parallel_loop3A_131 = arith.remsi %parallel_loop3A_113, %parallel_loop3A_114 : i32
        %parallel_loop3A_132 = arith.constant 0 : i32
        %parallel_loop3A_133 = arith.cmpi ne, %parallel_loop3A_131, %parallel_loop3A_132 : i32
        %parallel_loop3A_134 = arith.andi %parallel_loop3A_130, %parallel_loop3A_133 : i1
        %parallel_loop3A_135 = arith.constant 1 : i32
        %parallel_loop3A_136 = arith.subi %parallel_loop3A_115, %parallel_loop3A_135 : i32
        %parallel_loop3A_137 = arith.select %parallel_loop3A_134, %parallel_loop3A_136, %parallel_loop3A_115 : i32
        %parallel_loop3A_138 = arith.constant 32 : i32
        %parallel_loop3A_139 = arith.constant 0 : i32
        %parallel_loop3A_140 = arith.cmpi eq, %parallel_loop3A_138, %parallel_loop3A_139 : i32
        %parallel_loop3A_141 = arith.constant 1 : i32
        %parallel_loop3A_142 = arith.select %parallel_loop3A_140, %parallel_loop3A_141, %parallel_loop3A_138 : i32
        %parallel_loop3A_143 = arith.remsi %parallel_loop3A_113, %parallel_loop3A_142 : i32
        %parallel_loop3A_144 = arith.constant 0 : i32
        %parallel_loop3A_145 = arith.cmpi ne, %parallel_loop3A_143, %parallel_loop3A_144 : i32
        %parallel_loop3A_146 = arith.constant 0 : i32
        %parallel_loop3A_147 = arith.cmpi slt, %parallel_loop3A_143, %parallel_loop3A_146 : i32
        %parallel_loop3A_148 = arith.constant 0 : i32
        %parallel_loop3A_149 = arith.cmpi slt, %parallel_loop3A_142, %parallel_loop3A_148 : i32
        %parallel_loop3A_150 = arith.xori %parallel_loop3A_147, %parallel_loop3A_149 : i1
        %parallel_loop3A_151 = arith.andi %parallel_loop3A_150, %parallel_loop3A_145 : i1
        %parallel_loop3A_152 = arith.addi %parallel_loop3A_143, %parallel_loop3A_142 : i32
        %parallel_loop3A_153 = arith.select %parallel_loop3A_151, %parallel_loop3A_152, %parallel_loop3A_143 : i32
        %parallel_loop3A_154 = arith.constant 16 : i32
        %parallel_loop3A_155 = arith.muli %parallel_loop3A_153, %parallel_loop3A_154 : i32
        %parallel_loop3A_156 = arith.index_cast %parallel_loop3A_137 : i32 to index
        %parallel_loop3A_157 = arith.index_cast %parallel_loop3A_155 : i32 to index
        %parallel_loop3A_158 = tpu.vector_load %arg5[%parallel_loop3A_156, %parallel_loop3A_157] {strides = array<i32>} : memref<32x512xf32, #tpu.memory_space<vmem>>, vector<16xf32>,
        %parallel_loop3A_159 = arith.index_cast %parallel_loop3A_137 : i32 to index
        %parallel_loop3A_160 = arith.index_cast %parallel_loop3A_155 : i32 to index
        %parallel_loop3A_161 = tpu.vector_load %arg6[%parallel_loop3A_159, %parallel_loop3A_160] {strides = array<i32>} : memref<32x512xf32, #tpu.memory_space<vmem>>, vector<16xf32>,
        %parallel_loop3A_162 = arith.cmpf oeq, %parallel_loop3A_158, %parallel_loop3A_161 : vector<16xf32>
        %parallel_loop3A_163 = arith.constant 65537 : i32
        %parallel_loop3A_164 = arith.constant 1 : i32
        %parallel_loop3A_165 = vector.broadcast %parallel_loop3A_163 : i32 to vector<16xi32>
        %parallel_loop3A_166 = vector.broadcast %parallel_loop3A_164 : i32 to vector<16xi32>
        %parallel_loop3A_167 = arith.select %parallel_loop3A_162, %parallel_loop3A_165, %parallel_loop3A_166 : vector<16xi1>, vector<16xi32>
        %parallel_loop3A_168 = arith.addf %parallel_loop3A_158, %add3A_9 : vector<16xf32>
        %parallel_loop3A_169 = vector.bitcast %parallel_loop3A_168 : vector<16xf32> to vector<16xi32>
        %parallel_loop3A_170 = arith.constant 2047 : i32
        %parallel_loop3A_171 = vector.broadcast %parallel_loop3A_170 : i32 to vector<16xi32>
        %parallel_loop3A_172 = arith.andi %parallel_loop3A_169, %parallel_loop3A_171 : vector<16xi32>
        %parallel_loop3A_173 = arith.addf %parallel_loop3A_161, %add3A_9 : vector<16xf32>
        %parallel_loop3A_174 = vector.bitcast %parallel_loop3A_173 : vector<16xf32> to vector<16xi32>
        %parallel_loop3A_175 = arith.constant 2047 : i32
        %parallel_loop3A_176 = vector.broadcast %parallel_loop3A_175 : i32 to vector<16xi32>
        %parallel_loop3A_177 = arith.andi %parallel_loop3A_174, %parallel_loop3A_176 : vector<16xi32>
        tpu.vector_store_idx %arg11[%parallel_loop3A_172], %parallel_loop3A_167 {add = true} : memref<2048xi32, #tpu.memory_space<vmem>>[vector<16xi32>], vector<16xi32>,
        tpu.vector_store_idx %arg12[%parallel_loop3A_177], %broadcast_in_dim3A_1 {add = true} : memref<2048xi32, #tpu.memory_space<vmem>>[vector<16xi32>], vector<16xi32>,
      } {sc.loop_unroll_factor = 2 : i64, sc.parallel_access}
      %dma_wait3A_85 = arith.constant 0 : i32
      %dma_wait3A_86 = arith.constant 0 : i32
      %dma_wait3A_87 = arith.constant 0 : i32
      %dma_wait3A_88 = tpu.memref_slice %arg2[%dma_wait3A_85, %dma_wait3A_86, %dma_wait3A_87] : memref<64x512x512xf32, #tpu.memory_space<hbm>> -> memref<1x32x512xf32, #tpu.memory_space<hbm>>
      %dma_wait3A_89 = tpu.memref_squeeze %dma_wait3A_88 : memref<1x32x512xf32, #tpu.memory_space<hbm>> -> memref<32x512xf32, #tpu.memory_space<hbm>>
      %dma_wait3A_90 = arith.constant 0 : i32
      %dma_wait3A_91 = arith.constant 0 : i32
      %dma_wait3A_92 = tpu.memref_slice %arg2[%dma_wait3A_85, %dma_wait3A_90, %dma_wait3A_91] : memref<64x512x512xf32, #tpu.memory_space<hbm>> -> memref<1x32x512xf32, #tpu.memory_space<hbm>>
      %dma_wait3A_93 = tpu.memref_squeeze %dma_wait3A_92 : memref<1x32x512xf32, #tpu.memory_space<hbm>> -> memref<32x512xf32, #tpu.memory_space<hbm>>
      tpu.wait_dma2 semaphore(%arg10 : memref<!tpu.dma_semaphore, #tpu.memory_space<semaphore_mem>>) src(%dma_wait3A_93 : memref<32x512xf32, #tpu.memory_space<hbm>>) dst(%arg7 : memref<32x512xf32, #tpu.memory_space<vmem>>)
      %dma_wait3A_94 = arith.constant 0 : i32
      %dma_wait3A_95 = arith.constant 0 : i32
      %dma_wait3A_96 = arith.constant 0 : i32
      %dma_wait3A_97 = tpu.memref_slice %arg3[%dma_wait3A_94, %dma_wait3A_95, %dma_wait3A_96] : memref<64x512x512xf32, #tpu.memory_space<hbm>> -> memref<1x32x512xf32, #tpu.memory_space<hbm>>
      %dma_wait3A_98 = tpu.memref_squeeze %dma_wait3A_97 : memref<1x32x512xf32, #tpu.memory_space<hbm>> -> memref<32x512xf32, #tpu.memory_space<hbm>>
      %dma_wait3A_99 = arith.constant 0 : i32
      %dma_wait3A_100 = arith.constant 0 : i32
      %dma_wait3A_101 = tpu.memref_slice %arg3[%dma_wait3A_94, %dma_wait3A_99, %dma_wait3A_100] : memref<64x512x512xf32, #tpu.memory_space<hbm>> -> memref<1x32x512xf32, #tpu.memory_space<hbm>>
      %dma_wait3A_102 = tpu.memref_squeeze %dma_wait3A_101 : memref<1x32x512xf32, #tpu.memory_space<hbm>> -> memref<32x512xf32, #tpu.memory_space<hbm>>
      tpu.wait_dma2 semaphore(%arg10 : memref<!tpu.dma_semaphore, #tpu.memory_space<semaphore_mem>>) src(%dma_wait3A_102 : memref<32x512xf32, #tpu.memory_space<hbm>>) dst(%arg8 : memref<32x512xf32, #tpu.memory_space<vmem>>)
      %add3A_103 = arith.constant 2 : i32
      %add3A_104 = arith.addi %mul3A_60, %add3A_103 : i32
      %lt3A_105 = arith.constant 32 : i32
      %lt3A_106 = arith.cmpi slt, %add3A_104, %lt3A_105 : i32
      %convert_element_type3A_107 = arith.extui %lt3A_106 : i1 to i32
      %cond3A_108 = arith.constant 0 : i32
      %cond3A_109 = arith.cmpi ne, %convert_element_type3A_107, %cond3A_108 : i32
      scf.if %cond3A_109 {
        %add3A_113 = arith.constant 2 : i32
        %add3A_114 = arith.addi %mul3A_60, %add3A_113 : i32
        %mul3A_115 = arith.constant 2 : i32
        %mul3A_116 = arith.muli %mul3A_115, %add3A : i32
        %jit3A = arith.constant 16 : i32
        %div3A = arith.divsi %add3A_114, %jit3A : i32
        %sign3A = arith.constant 0 : i32
        %sign3A_117 = arith.cmpi sgt, %add3A_114, %sign3A : i32
        %sign3A_118 = arith.extui %sign3A_117 : i1 to i32
        %sign3A_119 = arith.constant 0 : i32
        %sign3A_120 = arith.cmpi slt, %add3A_114, %sign3A_119 : i32
        %sign3A_121 = arith.extui %sign3A_120 : i1 to i32
        %sign3A_122 = arith.subi %sign3A_118, %sign3A_121 : i32
        %sign3A_123 = arith.constant 0 : i32
        %sign3A_124 = arith.cmpi sgt, %jit3A, %sign3A_123 : i32
        %sign3A_125 = arith.extui %sign3A_124 : i1 to i32
        %sign3A_126 = arith.constant 0 : i32
        %sign3A_127 = arith.cmpi slt, %jit3A, %sign3A_126 : i32
        %sign3A_128 = arith.extui %sign3A_127 : i1 to i32
        %sign3A_129 = arith.subi %sign3A_125, %sign3A_128 : i32
        %ne3A = arith.cmpi ne, %sign3A_122, %sign3A_129 : i32
        %rem3A = arith.remsi %add3A_114, %jit3A : i32
        %ne3A_130 = arith.constant 0 : i32
        %ne3A_131 = arith.cmpi ne, %rem3A, %ne3A_130 : i32
        %and3A = arith.andi %ne3A, %ne3A_131 : i1
        %sub3A = arith.constant 1 : i32
        %sub3A_132 = arith.subi %div3A, %sub3A : i32
        %select_n3A = arith.select %and3A, %sub3A_132, %div3A : i32
        %add3A_133 = arith.addi %mul3A_116, %select_n3A : i32
        %jit3A_134 = arith.constant 16 : i32
        %eq3A = arith.constant 0 : i32
        %eq3A_135 = arith.cmpi eq, %jit3A_134, %eq3A : i32
        %jit3A_136 = arith.constant 1 : i32
        %select_n3A_137 = arith.select %eq3A_135, %jit3A_136, %jit3A_134 : i32
        %rem3A_138 = arith.remsi %add3A_114, %select_n3A_137 : i32
        %ne3A_139 = arith.constant 0 : i32
        %ne3A_140 = arith.cmpi ne, %rem3A_138, %ne3A_139 : i32
        %lt3A_141 = arith.constant 0 : i32
        %lt3A_142 = arith.cmpi slt, %rem3A_138, %lt3A_141 : i32
        %lt3A_143 = arith.constant 0 : i32
        %lt3A_144 = arith.cmpi slt, %select_n3A_137, %lt3A_143 : i32
        %ne3A_145 = arith.xori %lt3A_142, %lt3A_144 : i1
        %and3A_146 = arith.andi %ne3A_145, %ne3A_140 : i1
        %add3A_147 = arith.addi %rem3A_138, %select_n3A_137 : i32
        %select_n3A_148 = arith.select %and3A_146, %add3A_147, %rem3A_138 : i32
        %mul3A_149 = arith.constant 32 : i32
        %mul3A_150 = arith.muli %select_n3A_148, %mul3A_149 : i32
        %dma_start3A_151 = arith.constant 0 : i32
        %dma_start3A_152 = tpu.memref_slice %arg2[%add3A_133, %mul3A_150, %dma_start3A_151] : memref<64x512x512xf32, #tpu.memory_space<hbm>> -> memref<1x32x512xf32, #tpu.memory_space<hbm>>
        %dma_start3A_153 = tpu.memref_squeeze %dma_start3A_152 : memref<1x32x512xf32, #tpu.memory_space<hbm>> -> memref<32x512xf32, #tpu.memory_space<hbm>>
        %dma_start3A_154 = arith.constant 0 : i32
        %dma_start3A_155 = tpu.memref_slice %arg2[%add3A_133, %mul3A_150, %dma_start3A_154] : memref<64x512x512xf32, #tpu.memory_space<hbm>> -> memref<1x32x512xf32, #tpu.memory_space<hbm>>
        %dma_start3A_156 = tpu.memref_squeeze %dma_start3A_155 : memref<1x32x512xf32, #tpu.memory_space<hbm>> -> memref<32x512xf32, #tpu.memory_space<hbm>>
        tpu.enqueue_dma source(%dma_start3A_156 : memref<32x512xf32, #tpu.memory_space<hbm>>) target(%arg5 : memref<32x512xf32, #tpu.memory_space<vmem>>) target_semaphore(%arg9 : memref<!tpu.dma_semaphore, #tpu.memory_space<semaphore_mem>>)
        %dma_start3A_157 = arith.constant 0 : i32
        %dma_start3A_158 = tpu.memref_slice %arg3[%add3A_133, %mul3A_150, %dma_start3A_157] : memref<64x512x512xf32, #tpu.memory_space<hbm>> -> memref<1x32x512xf32, #tpu.memory_space<hbm>>
        %dma_start3A_159 = tpu.memref_squeeze %dma_start3A_158 : memref<1x32x512xf32, #tpu.memory_space<hbm>> -> memref<32x512xf32, #tpu.memory_space<hbm>>
        %dma_start3A_160 = arith.constant 0 : i32
        %dma_start3A_161 = tpu.memref_slice %arg3[%add3A_133, %mul3A_150, %dma_start3A_160] : memref<64x512x512xf32, #tpu.memory_space<hbm>> -> memref<1x32x512xf32, #tpu.memory_space<hbm>>
        %dma_start3A_162 = tpu.memref_squeeze %dma_start3A_161 : memref<1x32x512xf32, #tpu.memory_space<hbm>> -> memref<32x512xf32, #tpu.memory_space<hbm>>
        tpu.enqueue_dma source(%dma_start3A_162 : memref<32x512xf32, #tpu.memory_space<hbm>>) target(%arg6 : memref<32x512xf32, #tpu.memory_space<vmem>>) target_semaphore(%arg9 : memref<!tpu.dma_semaphore, #tpu.memory_space<semaphore_mem>>)
      } else {
      }
      %parallel_loop3A_110 = arith.constant 0 : i32
      %parallel_loop3A_111 = arith.constant 1024 : i32
      %parallel_loop3A_112 = arith.constant 1 : i32
      scf.for %parallel_loop3A_113 = %parallel_loop3A_110 to %parallel_loop3A_111 step %parallel_loop3A_112  : i32 {
        %parallel_loop3A_114 = arith.constant 32 : i32
        %parallel_loop3A_115 = arith.divsi %parallel_loop3A_113, %parallel_loop3A_114 : i32
        %parallel_loop3A_116 = arith.constant 0 : i32
        %parallel_loop3A_117 = arith.cmpi sgt, %parallel_loop3A_113, %parallel_loop3A_116 : i32
        %parallel_loop3A_118 = arith.extui %parallel_loop3A_117 : i1 to i32
        %parallel_loop3A_119 = arith.constant 0 : i32
        %parallel_loop3A_120 = arith.cmpi slt, %parallel_loop3A_113, %parallel_loop3A_119 : i32
        %parallel_loop3A_121 = arith.extui %parallel_loop3A_120 : i1 to i32
        %parallel_loop3A_122 = arith.subi %parallel_loop3A_118, %parallel_loop3A_121 : i32
        %parallel_loop3A_123 = arith.constant 0 : i32
        %parallel_loop3A_124 = arith.cmpi sgt, %parallel_loop3A_114, %parallel_loop3A_123 : i32
        %parallel_loop3A_125 = arith.extui %parallel_loop3A_124 : i1 to i32
        %parallel_loop3A_126 = arith.constant 0 : i32
        %parallel_loop3A_127 = arith.cmpi slt, %parallel_loop3A_114, %parallel_loop3A_126 : i32
        %parallel_loop3A_128 = arith.extui %parallel_loop3A_127 : i1 to i32
        %parallel_loop3A_129 = arith.subi %parallel_loop3A_125, %parallel_loop3A_128 : i32
        %parallel_loop3A_130 = arith.cmpi ne, %parallel_loop3A_122, %parallel_loop3A_129 : i32
        %parallel_loop3A_131 = arith.remsi %parallel_loop3A_113, %parallel_loop3A_114 : i32
        %parallel_loop3A_132 = arith.constant 0 : i32
        %parallel_loop3A_133 = arith.cmpi ne, %parallel_loop3A_131, %parallel_loop3A_132 : i32
        %parallel_loop3A_134 = arith.andi %parallel_loop3A_130, %parallel_loop3A_133 : i1
        %parallel_loop3A_135 = arith.constant 1 : i32
        %parallel_loop3A_136 = arith.subi %parallel_loop3A_115, %parallel_loop3A_135 : i32
        %parallel_loop3A_137 = arith.select %parallel_loop3A_134, %parallel_loop3A_136, %parallel_loop3A_115 : i32
        %parallel_loop3A_138 = arith.constant 32 : i32
        %parallel_loop3A_139 = arith.constant 0 : i32
        %parallel_loop3A_140 = arith.cmpi eq, %parallel_loop3A_138, %parallel_loop3A_139 : i32
        %parallel_loop3A_141 = arith.constant 1 : i32
        %parallel_loop3A_142 = arith.select %parallel_loop3A_140, %parallel_loop3A_141, %parallel_loop3A_138 : i32
        %parallel_loop3A_143 = arith.remsi %parallel_loop3A_113, %parallel_loop3A_142 : i32
        %parallel_loop3A_144 = arith.constant 0 : i32
        %parallel_loop3A_145 = arith.cmpi ne, %parallel_loop3A_143, %parallel_loop3A_144 : i32
        %parallel_loop3A_146 = arith.constant 0 : i32
        %parallel_loop3A_147 = arith.cmpi slt, %parallel_loop3A_143, %parallel_loop3A_146 : i32
        %parallel_loop3A_148 = arith.constant 0 : i32
        %parallel_loop3A_149 = arith.cmpi slt, %parallel_loop3A_142, %parallel_loop3A_148 : i32
        %parallel_loop3A_150 = arith.xori %parallel_loop3A_147, %parallel_loop3A_149 : i1
        %parallel_loop3A_151 = arith.andi %parallel_loop3A_150, %parallel_loop3A_145 : i1
        %parallel_loop3A_152 = arith.addi %parallel_loop3A_143, %parallel_loop3A_142 : i32
        %parallel_loop3A_153 = arith.select %parallel_loop3A_151, %parallel_loop3A_152, %parallel_loop3A_143 : i32
        %parallel_loop3A_154 = arith.constant 16 : i32
        %parallel_loop3A_155 = arith.muli %parallel_loop3A_153, %parallel_loop3A_154 : i32
        %parallel_loop3A_156 = arith.index_cast %parallel_loop3A_137 : i32 to index
        %parallel_loop3A_157 = arith.index_cast %parallel_loop3A_155 : i32 to index
        %parallel_loop3A_158 = tpu.vector_load %arg7[%parallel_loop3A_156, %parallel_loop3A_157] {strides = array<i32>} : memref<32x512xf32, #tpu.memory_space<vmem>>, vector<16xf32>,
        %parallel_loop3A_159 = arith.index_cast %parallel_loop3A_137 : i32 to index
        %parallel_loop3A_160 = arith.index_cast %parallel_loop3A_155 : i32 to index
        %parallel_loop3A_161 = tpu.vector_load %arg8[%parallel_loop3A_159, %parallel_loop3A_160] {strides = array<i32>} : memref<32x512xf32, #tpu.memory_space<vmem>>, vector<16xf32>,
        %parallel_loop3A_162 = arith.cmpf oeq, %parallel_loop3A_158, %parallel_loop3A_161 : vector<16xf32>
        %parallel_loop3A_163 = arith.constant 65537 : i32
        %parallel_loop3A_164 = arith.constant 1 : i32
        %parallel_loop3A_165 = vector.broadcast %parallel_loop3A_163 : i32 to vector<16xi32>
        %parallel_loop3A_166 = vector.broadcast %parallel_loop3A_164 : i32 to vector<16xi32>
        %parallel_loop3A_167 = arith.select %parallel_loop3A_162, %parallel_loop3A_165, %parallel_loop3A_166 : vector<16xi1>, vector<16xi32>
        %parallel_loop3A_168 = arith.addf %parallel_loop3A_158, %add3A_9 : vector<16xf32>
        %parallel_loop3A_169 = vector.bitcast %parallel_loop3A_168 : vector<16xf32> to vector<16xi32>
        %parallel_loop3A_170 = arith.constant 2047 : i32
        %parallel_loop3A_171 = vector.broadcast %parallel_loop3A_170 : i32 to vector<16xi32>
        %parallel_loop3A_172 = arith.andi %parallel_loop3A_169, %parallel_loop3A_171 : vector<16xi32>
        %parallel_loop3A_173 = arith.addf %parallel_loop3A_161, %add3A_9 : vector<16xf32>
        %parallel_loop3A_174 = vector.bitcast %parallel_loop3A_173 : vector<16xf32> to vector<16xi32>
        %parallel_loop3A_175 = arith.constant 2047 : i32
        %parallel_loop3A_176 = vector.broadcast %parallel_loop3A_175 : i32 to vector<16xi32>
        %parallel_loop3A_177 = arith.andi %parallel_loop3A_174, %parallel_loop3A_176 : vector<16xi32>
        tpu.vector_store_idx %arg11[%parallel_loop3A_172], %parallel_loop3A_167 {add = true} : memref<2048xi32, #tpu.memory_space<vmem>>[vector<16xi32>], vector<16xi32>,
        tpu.vector_store_idx %arg12[%parallel_loop3A_177], %broadcast_in_dim3A_1 {add = true} : memref<2048xi32, #tpu.memory_space<vmem>>[vector<16xi32>], vector<16xi32>,
      } {sc.loop_unroll_factor = 2 : i64, sc.parallel_access}
    }
    %scan3A_45 = arith.constant 16 : i32
    %scan3A_46 = arith.constant 0 : i32
    %scan3A_47 = arith.constant 0 : i32
    %scan3A_48 = arith.constant 8 : i32
    %scan3A_49 = arith.addi %scan3A_47, %scan3A_48 : i32
    %scan3A_50 = arith.constant 1 : i32
    scf.for %scan3A_58 = %scan3A_47 to %scan3A_49 step %scan3A_50  : i32 {
      %mul3A_59 = arith.constant 256 : i32
      %mul3A_60 = arith.muli %scan3A_58, %mul3A_59 : i32
      %mul3A_61 = arith.constant 16 : i32
      %mul3A_62 = vector.broadcast %mul3A_61 : i32 to vector<16xi32>
      %mul3A_63 = arith.muli %iota3A, %mul3A_62 : vector<16xi32>
      %add3A_64 = vector.broadcast %mul3A_60 : i32 to vector<16xi32>
      %add3A_65 = arith.addi %add3A_64, %mul3A_63 : vector<16xi32>
      %add3A_66 = arith.constant 0 : i32
      %add3A_67 = vector.broadcast %add3A_66 : i32 to vector<16xi32>
      %add3A_68 = arith.addi %add3A_65, %add3A_67 : vector<16xi32>
      %gather3A = tpu.vector_load_idx %arg11[%add3A_68] : memref<2048xi32, #tpu.memory_space<vmem>>[vector<16xi32>], vector<16xi32>,
      %and3A = arith.constant 65535 : i32
      %and3A_69 = vector.broadcast %and3A : i32 to vector<16xi32>
      %and3A_70 = arith.andi %gather3A, %and3A_69 : vector<16xi32>
      %add3A_71 = arith.addi %broadcast_in_dim3A_3, %and3A_70 : vector<16xi32>
      %shift_right_logical3A = arith.constant 16 : i32
      %shift_right_logical3A_72 = vector.broadcast %shift_right_logical3A : i32 to vector<16xi32>
      %shift_right_logical3A_73 = arith.shrui %gather3A, %shift_right_logical3A_72 : vector<16xi32>
      %add3A_74 = arith.addi %broadcast_in_dim3A_3, %shift_right_logical3A_73 : vector<16xi32>
      %mul3A_75 = arith.constant 256 : i32
      %mul3A_76 = arith.muli %scan3A_58, %mul3A_75 : i32
      %mul3A_77 = arith.constant 16 : i32
      %mul3A_78 = vector.broadcast %mul3A_77 : i32 to vector<16xi32>
      %mul3A_79 = arith.muli %iota3A, %mul3A_78 : vector<16xi32>
      %add3A_80 = vector.broadcast %mul3A_76 : i32 to vector<16xi32>
      %add3A_81 = arith.addi %add3A_80, %mul3A_79 : vector<16xi32>
      %add3A_82 = arith.constant 1 : i32
      %add3A_83 = vector.broadcast %add3A_82 : i32 to vector<16xi32>
      %add3A_84 = arith.addi %add3A_81, %add3A_83 : vector<16xi32>
      %gather3A_85 = tpu.vector_load_idx %arg11[%add3A_84] : memref<2048xi32, #tpu.memory_space<vmem>>[vector<16xi32>], vector<16xi32>,
      %and3A_86 = arith.constant 65535 : i32
      %and3A_87 = vector.broadcast %and3A_86 : i32 to vector<16xi32>
      %and3A_88 = arith.andi %gather3A_85, %and3A_87 : vector<16xi32>
      %add3A_89 = arith.addi %add3A_71, %and3A_88 : vector<16xi32>
      %shift_right_logical3A_90 = arith.constant 16 : i32
      %shift_right_logical3A_91 = vector.broadcast %shift_right_logical3A_90 : i32 to vector<16xi32>
      %shift_right_logical3A_92 = arith.shrui %gather3A_85, %shift_right_logical3A_91 : vector<16xi32>
      %add3A_93 = arith.addi %add3A_74, %shift_right_logical3A_92 : vector<16xi32>
      %mul3A_94 = arith.constant 256 : i32
      %mul3A_95 = arith.muli %scan3A_58, %mul3A_94 : i32
      %mul3A_96 = arith.constant 16 : i32
      %mul3A_97 = vector.broadcast %mul3A_96 : i32 to vector<16xi32>
      %mul3A_98 = arith.muli %iota3A, %mul3A_97 : vector<16xi32>
      %add3A_99 = vector.broadcast %mul3A_95 : i32 to vector<16xi32>
      %add3A_100 = arith.addi %add3A_99, %mul3A_98 : vector<16xi32>
      %add3A_101 = arith.constant 2 : i32
      %add3A_102 = vector.broadcast %add3A_101 : i32 to vector<16xi32>
      %add3A_103 = arith.addi %add3A_100, %add3A_102 : vector<16xi32>
      %gather3A_104 = tpu.vector_load_idx %arg11[%add3A_103] : memref<2048xi32, #tpu.memory_space<vmem>>[vector<16xi32>], vector<16xi32>,
      %and3A_105 = arith.constant 65535 : i32
      %and3A_106 = vector.broadcast %and3A_105 : i32 to vector<16xi32>
      %and3A_107 = arith.andi %gather3A_104, %and3A_106 : vector<16xi32>
      %add3A_108 = arith.addi %add3A_89, %and3A_107 : vector<16xi32>
      %shift_right_logical3A_109 = arith.constant 16 : i32
      %shift_right_logical3A_110 = vector.broadcast %shift_right_logical3A_109 : i32 to vector<16xi32>
      %shift_right_logical3A_111 = arith.shrui %gather3A_104, %shift_right_logical3A_110 : vector<16xi32>
      %add3A_112 = arith.addi %add3A_93, %shift_right_logical3A_111 : vector<16xi32>
      %mul3A_113 = arith.constant 256 : i32
      %mul3A_114 = arith.muli %scan3A_58, %mul3A_113 : i32
      %mul3A_115 = arith.constant 16 : i32
      %mul3A_116 = vector.broadcast %mul3A_115 : i32 to vector<16xi32>
      %mul3A_117 = arith.muli %iota3A, %mul3A_116 : vector<16xi32>
      %add3A_118 = vector.broadcast %mul3A_114 : i32 to vector<16xi32>
      %add3A_119 = arith.addi %add3A_118, %mul3A_117 : vector<16xi32>
      %add3A_120 = arith.constant 3 : i32
      %add3A_121 = vector.broadcast %add3A_120 : i32 to vector<16xi32>
      %add3A_122 = arith.addi %add3A_119, %add3A_121 : vector<16xi32>
      %gather3A_123 = tpu.vector_load_idx %arg11[%add3A_122] : memref<2048xi32, #tpu.memory_space<vmem>>[vector<16xi32>], vector<16xi32>,
      %and3A_124 = arith.constant 65535 : i32
      %and3A_125 = vector.broadcast %and3A_124 : i32 to vector<16xi32>
      %and3A_126 = arith.andi %gather3A_123, %and3A_125 : vector<16xi32>
      %add3A_127 = arith.addi %add3A_108, %and3A_126 : vector<16xi32>
      %shift_right_logical3A_128 = arith.constant 16 : i32
      %shift_right_logical3A_129 = vector.broadcast %shift_right_logical3A_128 : i32 to vector<16xi32>
      %shift_right_logical3A_130 = arith.shrui %gather3A_123, %shift_right_logical3A_129 : vector<16xi32>
      %add3A_131 = arith.addi %add3A_112, %shift_right_logical3A_130 : vector<16xi32>
      %mul3A_132 = arith.constant 256 : i32
      %mul3A_133 = arith.muli %scan3A_58, %mul3A_132 : i32
      %mul3A_134 = arith.constant 16 : i32
      %mul3A_135 = vector.broadcast %mul3A_134 : i32 to vector<16xi32>
      %mul3A_136 = arith.muli %iota3A, %mul3A_135 : vector<16xi32>
      %add3A_137 = vector.broadcast %mul3A_133 : i32 to vector<16xi32>
      %add3A_138 = arith.addi %add3A_137, %mul3A_136 : vector<16xi32>
      %add3A_139 = arith.constant 4 : i32
      %add3A_140 = vector.broadcast %add3A_139 : i32 to vector<16xi32>
      %add3A_141 = arith.addi %add3A_138, %add3A_140 : vector<16xi32>
      %gather3A_142 = tpu.vector_load_idx %arg11[%add3A_141] : memref<2048xi32, #tpu.memory_space<vmem>>[vector<16xi32>], vector<16xi32>,
      %and3A_143 = arith.constant 65535 : i32
      %and3A_144 = vector.broadcast %and3A_143 : i32 to vector<16xi32>
      %and3A_145 = arith.andi %gather3A_142, %and3A_144 : vector<16xi32>
      %add3A_146 = arith.addi %add3A_127, %and3A_145 : vector<16xi32>
      %shift_right_logical3A_147 = arith.constant 16 : i32
      %shift_right_logical3A_148 = vector.broadcast %shift_right_logical3A_147 : i32 to vector<16xi32>
      %shift_right_logical3A_149 = arith.shrui %gather3A_142, %shift_right_logical3A_148 : vector<16xi32>
      %add3A_150 = arith.addi %add3A_131, %shift_right_logical3A_149 : vector<16xi32>
      %mul3A_151 = arith.constant 256 : i32
      %mul3A_152 = arith.muli %scan3A_58, %mul3A_151 : i32
      %mul3A_153 = arith.constant 16 : i32
      %mul3A_154 = vector.broadcast %mul3A_153 : i32 to vector<16xi32>
      %mul3A_155 = arith.muli %iota3A, %mul3A_154 : vector<16xi32>
      %add3A_156 = vector.broadcast %mul3A_152 : i32 to vector<16xi32>
      %add3A_157 = arith.addi %add3A_156, %mul3A_155 : vector<16xi32>
      %add3A_158 = arith.constant 5 : i32
      %add3A_159 = vector.broadcast %add3A_158 : i32 to vector<16xi32>
      %add3A_160 = arith.addi %add3A_157, %add3A_159 : vector<16xi32>
      %gather3A_161 = tpu.vector_load_idx %arg11[%add3A_160] : memref<2048xi32, #tpu.memory_space<vmem>>[vector<16xi32>], vector<16xi32>,
      %and3A_162 = arith.constant 65535 : i32
      %and3A_163 = vector.broadcast %and3A_162 : i32 to vector<16xi32>
      %and3A_164 = arith.andi %gather3A_161, %and3A_163 : vector<16xi32>
      %add3A_165 = arith.addi %add3A_146, %and3A_164 : vector<16xi32>
      %shift_right_logical3A_166 = arith.constant 16 : i32
      %shift_right_logical3A_167 = vector.broadcast %shift_right_logical3A_166 : i32 to vector<16xi32>
      %shift_right_logical3A_168 = arith.shrui %gather3A_161, %shift_right_logical3A_167 : vector<16xi32>
      %add3A_169 = arith.addi %add3A_150, %shift_right_logical3A_168 : vector<16xi32>
      %mul3A_170 = arith.constant 256 : i32
      %mul3A_171 = arith.muli %scan3A_58, %mul3A_170 : i32
      %mul3A_172 = arith.constant 16 : i32
      %mul3A_173 = vector.broadcast %mul3A_172 : i32 to vector<16xi32>
      %mul3A_174 = arith.muli %iota3A, %mul3A_173 : vector<16xi32>
      %add3A_175 = vector.broadcast %mul3A_171 : i32 to vector<16xi32>
      %add3A_176 = arith.addi %add3A_175, %mul3A_174 : vector<16xi32>
      %add3A_177 = arith.constant 6 : i32
      %add3A_178 = vector.broadcast %add3A_177 : i32 to vector<16xi32>
      %add3A_179 = arith.addi %add3A_176, %add3A_178 : vector<16xi32>
      %gather3A_180 = tpu.vector_load_idx %arg11[%add3A_179] : memref<2048xi32, #tpu.memory_space<vmem>>[vector<16xi32>], vector<16xi32>,
      %and3A_181 = arith.constant 65535 : i32
      %and3A_182 = vector.broadcast %and3A_181 : i32 to vector<16xi32>
      %and3A_183 = arith.andi %gather3A_180, %and3A_182 : vector<16xi32>
      %add3A_184 = arith.addi %add3A_165, %and3A_183 : vector<16xi32>
      %shift_right_logical3A_185 = arith.constant 16 : i32
      %shift_right_logical3A_186 = vector.broadcast %shift_right_logical3A_185 : i32 to vector<16xi32>
      %shift_right_logical3A_187 = arith.shrui %gather3A_180, %shift_right_logical3A_186 : vector<16xi32>
      %add3A_188 = arith.addi %add3A_169, %shift_right_logical3A_187 : vector<16xi32>
      %mul3A_189 = arith.constant 256 : i32
      %mul3A_190 = arith.muli %scan3A_58, %mul3A_189 : i32
      %mul3A_191 = arith.constant 16 : i32
      %mul3A_192 = vector.broadcast %mul3A_191 : i32 to vector<16xi32>
      %mul3A_193 = arith.muli %iota3A, %mul3A_192 : vector<16xi32>
      %add3A_194 = vector.broadcast %mul3A_190 : i32 to vector<16xi32>
      %add3A_195 = arith.addi %add3A_194, %mul3A_193 : vector<16xi32>
      %add3A_196 = arith.constant 7 : i32
      %add3A_197 = vector.broadcast %add3A_196 : i32 to vector<16xi32>
      %add3A_198 = arith.addi %add3A_195, %add3A_197 : vector<16xi32>
      %gather3A_199 = tpu.vector_load_idx %arg11[%add3A_198] : memref<2048xi32, #tpu.memory_space<vmem>>[vector<16xi32>], vector<16xi32>,
      %and3A_200 = arith.constant 65535 : i32
      %and3A_201 = vector.broadcast %and3A_200 : i32 to vector<16xi32>
      %and3A_202 = arith.andi %gather3A_199, %and3A_201 : vector<16xi32>
      %add3A_203 = arith.addi %add3A_184, %and3A_202 : vector<16xi32>
      %shift_right_logical3A_204 = arith.constant 16 : i32
      %shift_right_logical3A_205 = vector.broadcast %shift_right_logical3A_204 : i32 to vector<16xi32>
      %shift_right_logical3A_206 = arith.shrui %gather3A_199, %shift_right_logical3A_205 : vector<16xi32>
      %add3A_207 = arith.addi %add3A_188, %shift_right_logical3A_206 : vector<16xi32>
      %mul3A_208 = arith.constant 256 : i32
      %mul3A_209 = arith.muli %scan3A_58, %mul3A_208 : i32
      %mul3A_210 = arith.constant 16 : i32
      %mul3A_211 = vector.broadcast %mul3A_210 : i32 to vector<16xi32>
      %mul3A_212 = arith.muli %iota3A, %mul3A_211 : vector<16xi32>
      %add3A_213 = vector.broadcast %mul3A_209 : i32 to vector<16xi32>
      %add3A_214 = arith.addi %add3A_213, %mul3A_212 : vector<16xi32>
      %add3A_215 = arith.constant 8 : i32
      %add3A_216 = vector.broadcast %add3A_215 : i32 to vector<16xi32>
      %add3A_217 = arith.addi %add3A_214, %add3A_216 : vector<16xi32>
      %gather3A_218 = tpu.vector_load_idx %arg11[%add3A_217] : memref<2048xi32, #tpu.memory_space<vmem>>[vector<16xi32>], vector<16xi32>,
      %and3A_219 = arith.constant 65535 : i32
      %and3A_220 = vector.broadcast %and3A_219 : i32 to vector<16xi32>
      %and3A_221 = arith.andi %gather3A_218, %and3A_220 : vector<16xi32>
      %add3A_222 = arith.addi %add3A_203, %and3A_221 : vector<16xi32>
      %shift_right_logical3A_223 = arith.constant 16 : i32
      %shift_right_logical3A_224 = vector.broadcast %shift_right_logical3A_223 : i32 to vector<16xi32>
      %shift_right_logical3A_225 = arith.shrui %gather3A_218, %shift_right_logical3A_224 : vector<16xi32>
      %add3A_226 = arith.addi %add3A_207, %shift_right_logical3A_225 : vector<16xi32>
      %mul3A_227 = arith.constant 256 : i32
      %mul3A_228 = arith.muli %scan3A_58, %mul3A_227 : i32
      %mul3A_229 = arith.constant 16 : i32
      %mul3A_230 = vector.broadcast %mul3A_229 : i32 to vector<16xi32>
      %mul3A_231 = arith.muli %iota3A, %mul3A_230 : vector<16xi32>
      %add3A_232 = vector.broadcast %mul3A_228 : i32 to vector<16xi32>
      %add3A_233 = arith.addi %add3A_232, %mul3A_231 : vector<16xi32>
      %add3A_234 = arith.constant 9 : i32
      %add3A_235 = vector.broadcast %add3A_234 : i32 to vector<16xi32>
      %add3A_236 = arith.addi %add3A_233, %add3A_235 : vector<16xi32>
      %gather3A_237 = tpu.vector_load_idx %arg11[%add3A_236] : memref<2048xi32, #tpu.memory_space<vmem>>[vector<16xi32>], vector<16xi32>,
      %and3A_238 = arith.constant 65535 : i32
      %and3A_239 = vector.broadcast %and3A_238 : i32 to vector<16xi32>
      %and3A_240 = arith.andi %gather3A_237, %and3A_239 : vector<16xi32>
      %add3A_241 = arith.addi %add3A_222, %and3A_240 : vector<16xi32>
      %shift_right_logical3A_242 = arith.constant 16 : i32
      %shift_right_logical3A_243 = vector.broadcast %shift_right_logical3A_242 : i32 to vector<16xi32>
      %shift_right_logical3A_244 = arith.shrui %gather3A_237, %shift_right_logical3A_243 : vector<16xi32>
      %add3A_245 = arith.addi %add3A_226, %shift_right_logical3A_244 : vector<16xi32>
      %mul3A_246 = arith.constant 256 : i32
      %mul3A_247 = arith.muli %scan3A_58, %mul3A_246 : i32
      %mul3A_248 = arith.constant 16 : i32
      %mul3A_249 = vector.broadcast %mul3A_248 : i32 to vector<16xi32>
      %mul3A_250 = arith.muli %iota3A, %mul3A_249 : vector<16xi32>
      %add3A_251 = vector.broadcast %mul3A_247 : i32 to vector<16xi32>
      %add3A_252 = arith.addi %add3A_251, %mul3A_250 : vector<16xi32>
      %add3A_253 = arith.constant 10 : i32
      %add3A_254 = vector.broadcast %add3A_253 : i32 to vector<16xi32>
      %add3A_255 = arith.addi %add3A_252, %add3A_254 : vector<16xi32>
      %gather3A_256 = tpu.vector_load_idx %arg11[%add3A_255] : memref<2048xi32, #tpu.memory_space<vmem>>[vector<16xi32>], vector<16xi32>,
      %and3A_257 = arith.constant 65535 : i32
      %and3A_258 = vector.broadcast %and3A_257 : i32 to vector<16xi32>
      %and3A_259 = arith.andi %gather3A_256, %and3A_258 : vector<16xi32>
      %add3A_260 = arith.addi %add3A_241, %and3A_259 : vector<16xi32>
      %shift_right_logical3A_261 = arith.constant 16 : i32
      %shift_right_logical3A_262 = vector.broadcast %shift_right_logical3A_261 : i32 to vector<16xi32>
      %shift_right_logical3A_263 = arith.shrui %gather3A_256, %shift_right_logical3A_262 : vector<16xi32>
      %add3A_264 = arith.addi %add3A_245, %shift_right_logical3A_263 : vector<16xi32>
      %mul3A_265 = arith.constant 256 : i32
      %mul3A_266 = arith.muli %scan3A_58, %mul3A_265 : i32
      %mul3A_267 = arith.constant 16 : i32
      %mul3A_268 = vector.broadcast %mul3A_267 : i32 to vector<16xi32>
      %mul3A_269 = arith.muli %iota3A, %mul3A_268 : vector<16xi32>
      %add3A_270 = vector.broadcast %mul3A_266 : i32 to vector<16xi32>
      %add3A_271 = arith.addi %add3A_270, %mul3A_269 : vector<16xi32>
      %add3A_272 = arith.constant 11 : i32
      %add3A_273 = vector.broadcast %add3A_272 : i32 to vector<16xi32>
      %add3A_274 = arith.addi %add3A_271, %add3A_273 : vector<16xi32>
      %gather3A_275 = tpu.vector_load_idx %arg11[%add3A_274] : memref<2048xi32, #tpu.memory_space<vmem>>[vector<16xi32>], vector<16xi32>,
      %and3A_276 = arith.constant 65535 : i32
      %and3A_277 = vector.broadcast %and3A_276 : i32 to vector<16xi32>
      %and3A_278 = arith.andi %gather3A_275, %and3A_277 : vector<16xi32>
      %add3A_279 = arith.addi %add3A_260, %and3A_278 : vector<16xi32>
      %shift_right_logical3A_280 = arith.constant 16 : i32
      %shift_right_logical3A_281 = vector.broadcast %shift_right_logical3A_280 : i32 to vector<16xi32>
      %shift_right_logical3A_282 = arith.shrui %gather3A_275, %shift_right_logical3A_281 : vector<16xi32>
      %add3A_283 = arith.addi %add3A_264, %shift_right_logical3A_282 : vector<16xi32>
      %mul3A_284 = arith.constant 256 : i32
      %mul3A_285 = arith.muli %scan3A_58, %mul3A_284 : i32
      %mul3A_286 = arith.constant 16 : i32
      %mul3A_287 = vector.broadcast %mul3A_286 : i32 to vector<16xi32>
      %mul3A_288 = arith.muli %iota3A, %mul3A_287 : vector<16xi32>
      %add3A_289 = vector.broadcast %mul3A_285 : i32 to vector<16xi32>
      %add3A_290 = arith.addi %add3A_289, %mul3A_288 : vector<16xi32>
      %add3A_291 = arith.constant 12 : i32
      %add3A_292 = vector.broadcast %add3A_291 : i32 to vector<16xi32>
      %add3A_293 = arith.addi %add3A_290, %add3A_292 : vector<16xi32>
      %gather3A_294 = tpu.vector_load_idx %arg11[%add3A_293] : memref<2048xi32, #tpu.memory_space<vmem>>[vector<16xi32>], vector<16xi32>,
      %and3A_295 = arith.constant 65535 : i32
      %and3A_296 = vector.broadcast %and3A_295 : i32 to vector<16xi32>
      %and3A_297 = arith.andi %gather3A_294, %and3A_296 : vector<16xi32>
      %add3A_298 = arith.addi %add3A_279, %and3A_297 : vector<16xi32>
      %shift_right_logical3A_299 = arith.constant 16 : i32
      %shift_right_logical3A_300 = vector.broadcast %shift_right_logical3A_299 : i32 to vector<16xi32>
      %shift_right_logical3A_301 = arith.shrui %gather3A_294, %shift_right_logical3A_300 : vector<16xi32>
      %add3A_302 = arith.addi %add3A_283, %shift_right_logical3A_301 : vector<16xi32>
      %mul3A_303 = arith.constant 256 : i32
      %mul3A_304 = arith.muli %scan3A_58, %mul3A_303 : i32
      %mul3A_305 = arith.constant 16 : i32
      %mul3A_306 = vector.broadcast %mul3A_305 : i32 to vector<16xi32>
      %mul3A_307 = arith.muli %iota3A, %mul3A_306 : vector<16xi32>
      %add3A_308 = vector.broadcast %mul3A_304 : i32 to vector<16xi32>
      %add3A_309 = arith.addi %add3A_308, %mul3A_307 : vector<16xi32>
      %add3A_310 = arith.constant 13 : i32
      %add3A_311 = vector.broadcast %add3A_310 : i32 to vector<16xi32>
      %add3A_312 = arith.addi %add3A_309, %add3A_311 : vector<16xi32>
      %gather3A_313 = tpu.vector_load_idx %arg11[%add3A_312] : memref<2048xi32, #tpu.memory_space<vmem>>[vector<16xi32>], vector<16xi32>,
      %and3A_314 = arith.constant 65535 : i32
      %and3A_315 = vector.broadcast %and3A_314 : i32 to vector<16xi32>
      %and3A_316 = arith.andi %gather3A_313, %and3A_315 : vector<16xi32>
      %add3A_317 = arith.addi %add3A_298, %and3A_316 : vector<16xi32>
      %shift_right_logical3A_318 = arith.constant 16 : i32
      %shift_right_logical3A_319 = vector.broadcast %shift_right_logical3A_318 : i32 to vector<16xi32>
      %shift_right_logical3A_320 = arith.shrui %gather3A_313, %shift_right_logical3A_319 : vector<16xi32>
      %add3A_321 = arith.addi %add3A_302, %shift_right_logical3A_320 : vector<16xi32>
      %mul3A_322 = arith.constant 256 : i32
      %mul3A_323 = arith.muli %scan3A_58, %mul3A_322 : i32
      %mul3A_324 = arith.constant 16 : i32
      %mul3A_325 = vector.broadcast %mul3A_324 : i32 to vector<16xi32>
      %mul3A_326 = arith.muli %iota3A, %mul3A_325 : vector<16xi32>
      %add3A_327 = vector.broadcast %mul3A_323 : i32 to vector<16xi32>
      %add3A_328 = arith.addi %add3A_327, %mul3A_326 : vector<16xi32>
      %add3A_329 = arith.constant 14 : i32
      %add3A_330 = vector.broadcast %add3A_329 : i32 to vector<16xi32>
      %add3A_331 = arith.addi %add3A_328, %add3A_330 : vector<16xi32>
      %gather3A_332 = tpu.vector_load_idx %arg11[%add3A_331] : memref<2048xi32, #tpu.memory_space<vmem>>[vector<16xi32>], vector<16xi32>,
      %and3A_333 = arith.constant 65535 : i32
      %and3A_334 = vector.broadcast %and3A_333 : i32 to vector<16xi32>
      %and3A_335 = arith.andi %gather3A_332, %and3A_334 : vector<16xi32>
      %add3A_336 = arith.addi %add3A_317, %and3A_335 : vector<16xi32>
      %shift_right_logical3A_337 = arith.constant 16 : i32
      %shift_right_logical3A_338 = vector.broadcast %shift_right_logical3A_337 : i32 to vector<16xi32>
      %shift_right_logical3A_339 = arith.shrui %gather3A_332, %shift_right_logical3A_338 : vector<16xi32>
      %add3A_340 = arith.addi %add3A_321, %shift_right_logical3A_339 : vector<16xi32>
      %mul3A_341 = arith.constant 256 : i32
      %mul3A_342 = arith.muli %scan3A_58, %mul3A_341 : i32
      %mul3A_343 = arith.constant 16 : i32
      %mul3A_344 = vector.broadcast %mul3A_343 : i32 to vector<16xi32>
      %mul3A_345 = arith.muli %iota3A, %mul3A_344 : vector<16xi32>
      %add3A_346 = vector.broadcast %mul3A_342 : i32 to vector<16xi32>
      %add3A_347 = arith.addi %add3A_346, %mul3A_345 : vector<16xi32>
      %add3A_348 = arith.constant 15 : i32
      %add3A_349 = vector.broadcast %add3A_348 : i32 to vector<16xi32>
      %add3A_350 = arith.addi %add3A_347, %add3A_349 : vector<16xi32>
      %gather3A_351 = tpu.vector_load_idx %arg11[%add3A_350] : memref<2048xi32, #tpu.memory_space<vmem>>[vector<16xi32>], vector<16xi32>,
      %and3A_352 = arith.constant 65535 : i32
      %and3A_353 = vector.broadcast %and3A_352 : i32 to vector<16xi32>
      %and3A_354 = arith.andi %gather3A_351, %and3A_353 : vector<16xi32>
      %add3A_355 = arith.addi %add3A_336, %and3A_354 : vector<16xi32>
      %shift_right_logical3A_356 = arith.constant 16 : i32
      %shift_right_logical3A_357 = vector.broadcast %shift_right_logical3A_356 : i32 to vector<16xi32>
      %shift_right_logical3A_358 = arith.shrui %gather3A_351, %shift_right_logical3A_357 : vector<16xi32>
      %add3A_359 = arith.addi %add3A_340, %shift_right_logical3A_358 : vector<16xi32>
      %mul3A_360 = arith.constant 16 : i32
      %mul3A_361 = arith.muli %scan3A_58, %mul3A_360 : i32
      %swap3A = arith.index_cast %mul3A_361 : i32 to index
      %swap3A_362 = tpu.vector_load %arg13[%swap3A] {strides = array<i32>} : memref<384xi32, #tpu.memory_space<vmem>>, vector<16xi32>,
      tpu.vector_store %arg13[%swap3A], %add3A_355 {strides = array<i32>} : memref<384xi32, #tpu.memory_space<vmem>>, vector<16xi32>,
      %mul3A_363 = arith.constant 16 : i32
      %mul3A_364 = arith.muli %scan3A_58, %mul3A_363 : i32
      %add3A_365 = arith.constant 128 : i32
      %add3A_366 = arith.addi %add3A_365, %mul3A_364 : i32
      %swap3A_367 = arith.index_cast %add3A_366 : i32 to index
      %swap3A_368 = tpu.vector_load %arg13[%swap3A_367] {strides = array<i32>} : memref<384xi32, #tpu.memory_space<vmem>>, vector<16xi32>,
      tpu.vector_store %arg13[%swap3A_367], %add3A_359 {strides = array<i32>} : memref<384xi32, #tpu.memory_space<vmem>>, vector<16xi32>,
    }
    %scan3A_51 = arith.constant 8 : i32
    %scan3A_52 = arith.constant 0 : i32
    %scan3A_53 = arith.constant 0 : i32
    %scan3A_54 = arith.constant 8 : i32
    %scan3A_55 = arith.addi %scan3A_53, %scan3A_54 : i32
    %scan3A_56 = arith.constant 1 : i32
    scf.for %scan3A_58 = %scan3A_53 to %scan3A_55 step %scan3A_56  : i32 {
      %mul3A_59 = arith.constant 256 : i32
      %mul3A_60 = arith.muli %scan3A_58, %mul3A_59 : i32
      %mul3A_61 = arith.constant 16 : i32
      %mul3A_62 = vector.broadcast %mul3A_61 : i32 to vector<16xi32>
      %mul3A_63 = arith.muli %iota3A, %mul3A_62 : vector<16xi32>
      %add3A_64 = vector.broadcast %mul3A_60 : i32 to vector<16xi32>
      %add3A_65 = arith.addi %add3A_64, %mul3A_63 : vector<16xi32>
      %add3A_66 = arith.constant 0 : i32
      %add3A_67 = vector.broadcast %add3A_66 : i32 to vector<16xi32>
      %add3A_68 = arith.addi %add3A_65, %add3A_67 : vector<16xi32>
      %gather3A = tpu.vector_load_idx %arg12[%add3A_68] : memref<2048xi32, #tpu.memory_space<vmem>>[vector<16xi32>], vector<16xi32>,
      %add3A_69 = arith.addi %broadcast_in_dim3A_3, %gather3A : vector<16xi32>
      %mul3A_70 = arith.constant 256 : i32
      %mul3A_71 = arith.muli %scan3A_58, %mul3A_70 : i32
      %mul3A_72 = arith.constant 16 : i32
      %mul3A_73 = vector.broadcast %mul3A_72 : i32 to vector<16xi32>
      %mul3A_74 = arith.muli %iota3A, %mul3A_73 : vector<16xi32>
      %add3A_75 = vector.broadcast %mul3A_71 : i32 to vector<16xi32>
      %add3A_76 = arith.addi %add3A_75, %mul3A_74 : vector<16xi32>
      %add3A_77 = arith.constant 1 : i32
      %add3A_78 = vector.broadcast %add3A_77 : i32 to vector<16xi32>
      %add3A_79 = arith.addi %add3A_76, %add3A_78 : vector<16xi32>
      %gather3A_80 = tpu.vector_load_idx %arg12[%add3A_79] : memref<2048xi32, #tpu.memory_space<vmem>>[vector<16xi32>], vector<16xi32>,
      %add3A_81 = arith.addi %add3A_69, %gather3A_80 : vector<16xi32>
      %mul3A_82 = arith.constant 256 : i32
      %mul3A_83 = arith.muli %scan3A_58, %mul3A_82 : i32
      %mul3A_84 = arith.constant 16 : i32
      %mul3A_85 = vector.broadcast %mul3A_84 : i32 to vector<16xi32>
      %mul3A_86 = arith.muli %iota3A, %mul3A_85 : vector<16xi32>
      %add3A_87 = vector.broadcast %mul3A_83 : i32 to vector<16xi32>
      %add3A_88 = arith.addi %add3A_87, %mul3A_86 : vector<16xi32>
      %add3A_89 = arith.constant 2 : i32
      %add3A_90 = vector.broadcast %add3A_89 : i32 to vector<16xi32>
      %add3A_91 = arith.addi %add3A_88, %add3A_90 : vector<16xi32>
      %gather3A_92 = tpu.vector_load_idx %arg12[%add3A_91] : memref<2048xi32, #tpu.memory_space<vmem>>[vector<16xi32>], vector<16xi32>,
      %add3A_93 = arith.addi %add3A_81, %gather3A_92 : vector<16xi32>
      %mul3A_94 = arith.constant 256 : i32
      %mul3A_95 = arith.muli %scan3A_58, %mul3A_94 : i32
      %mul3A_96 = arith.constant 16 : i32
      %mul3A_97 = vector.broadcast %mul3A_96 : i32 to vector<16xi32>
      %mul3A_98 = arith.muli %iota3A, %mul3A_97 : vector<16xi32>
      %add3A_99 = vector.broadcast %mul3A_95 : i32 to vector<16xi32>
      %add3A_100 = arith.addi %add3A_99, %mul3A_98 : vector<16xi32>
      %add3A_101 = arith.constant 3 : i32
      %add3A_102 = vector.broadcast %add3A_101 : i32 to vector<16xi32>
      %add3A_103 = arith.addi %add3A_100, %add3A_102 : vector<16xi32>
      %gather3A_104 = tpu.vector_load_idx %arg12[%add3A_103] : memref<2048xi32, #tpu.memory_space<vmem>>[vector<16xi32>], vector<16xi32>,
      %add3A_105 = arith.addi %add3A_93, %gather3A_104 : vector<16xi32>
      %mul3A_106 = arith.constant 256 : i32
      %mul3A_107 = arith.muli %scan3A_58, %mul3A_106 : i32
      %mul3A_108 = arith.constant 16 : i32
      %mul3A_109 = vector.broadcast %mul3A_108 : i32 to vector<16xi32>
      %mul3A_110 = arith.muli %iota3A, %mul3A_109 : vector<16xi32>
      %add3A_111 = vector.broadcast %mul3A_107 : i32 to vector<16xi32>
      %add3A_112 = arith.addi %add3A_111, %mul3A_110 : vector<16xi32>
      %add3A_113 = arith.constant 4 : i32
      %add3A_114 = vector.broadcast %add3A_113 : i32 to vector<16xi32>
      %add3A_115 = arith.addi %add3A_112, %add3A_114 : vector<16xi32>
      %gather3A_116 = tpu.vector_load_idx %arg12[%add3A_115] : memref<2048xi32, #tpu.memory_space<vmem>>[vector<16xi32>], vector<16xi32>,
      %add3A_117 = arith.addi %add3A_105, %gather3A_116 : vector<16xi32>
      %mul3A_118 = arith.constant 256 : i32
      %mul3A_119 = arith.muli %scan3A_58, %mul3A_118 : i32
      %mul3A_120 = arith.constant 16 : i32
      %mul3A_121 = vector.broadcast %mul3A_120 : i32 to vector<16xi32>
      %mul3A_122 = arith.muli %iota3A, %mul3A_121 : vector<16xi32>
      %add3A_123 = vector.broadcast %mul3A_119 : i32 to vector<16xi32>
      %add3A_124 = arith.addi %add3A_123, %mul3A_122 : vector<16xi32>
      %add3A_125 = arith.constant 5 : i32
      %add3A_126 = vector.broadcast %add3A_125 : i32 to vector<16xi32>
      %add3A_127 = arith.addi %add3A_124, %add3A_126 : vector<16xi32>
      %gather3A_128 = tpu.vector_load_idx %arg12[%add3A_127] : memref<2048xi32, #tpu.memory_space<vmem>>[vector<16xi32>], vector<16xi32>,
      %add3A_129 = arith.addi %add3A_117, %gather3A_128 : vector<16xi32>
      %mul3A_130 = arith.constant 256 : i32
      %mul3A_131 = arith.muli %scan3A_58, %mul3A_130 : i32
      %mul3A_132 = arith.constant 16 : i32
      %mul3A_133 = vector.broadcast %mul3A_132 : i32 to vector<16xi32>
      %mul3A_134 = arith.muli %iota3A, %mul3A_133 : vector<16xi32>
      %add3A_135 = vector.broadcast %mul3A_131 : i32 to vector<16xi32>
      %add3A_136 = arith.addi %add3A_135, %mul3A_134 : vector<16xi32>
      %add3A_137 = arith.constant 6 : i32
      %add3A_138 = vector.broadcast %add3A_137 : i32 to vector<16xi32>
      %add3A_139 = arith.addi %add3A_136, %add3A_138 : vector<16xi32>
      %gather3A_140 = tpu.vector_load_idx %arg12[%add3A_139] : memref<2048xi32, #tpu.memory_space<vmem>>[vector<16xi32>], vector<16xi32>,
      %add3A_141 = arith.addi %add3A_129, %gather3A_140 : vector<16xi32>
      %mul3A_142 = arith.constant 256 : i32
      %mul3A_143 = arith.muli %scan3A_58, %mul3A_142 : i32
      %mul3A_144 = arith.constant 16 : i32
      %mul3A_145 = vector.broadcast %mul3A_144 : i32 to vector<16xi32>
      %mul3A_146 = arith.muli %iota3A, %mul3A_145 : vector<16xi32>
      %add3A_147 = vector.broadcast %mul3A_143 : i32 to vector<16xi32>
      %add3A_148 = arith.addi %add3A_147, %mul3A_146 : vector<16xi32>
      %add3A_149 = arith.constant 7 : i32
      %add3A_150 = vector.broadcast %add3A_149 : i32 to vector<16xi32>
      %add3A_151 = arith.addi %add3A_148, %add3A_150 : vector<16xi32>
      %gather3A_152 = tpu.vector_load_idx %arg12[%add3A_151] : memref<2048xi32, #tpu.memory_space<vmem>>[vector<16xi32>], vector<16xi32>,
      %add3A_153 = arith.addi %add3A_141, %gather3A_152 : vector<16xi32>
      %mul3A_154 = arith.constant 256 : i32
      %mul3A_155 = arith.muli %scan3A_58, %mul3A_154 : i32
      %mul3A_156 = arith.constant 16 : i32
      %mul3A_157 = vector.broadcast %mul3A_156 : i32 to vector<16xi32>
      %mul3A_158 = arith.muli %iota3A, %mul3A_157 : vector<16xi32>
      %add3A_159 = vector.broadcast %mul3A_155 : i32 to vector<16xi32>
      %add3A_160 = arith.addi %add3A_159, %mul3A_158 : vector<16xi32>
      %add3A_161 = arith.constant 8 : i32
      %add3A_162 = vector.broadcast %add3A_161 : i32 to vector<16xi32>
      %add3A_163 = arith.addi %add3A_160, %add3A_162 : vector<16xi32>
      %gather3A_164 = tpu.vector_load_idx %arg12[%add3A_163] : memref<2048xi32, #tpu.memory_space<vmem>>[vector<16xi32>], vector<16xi32>,
      %add3A_165 = arith.addi %add3A_153, %gather3A_164 : vector<16xi32>
      %mul3A_166 = arith.constant 256 : i32
      %mul3A_167 = arith.muli %scan3A_58, %mul3A_166 : i32
      %mul3A_168 = arith.constant 16 : i32
      %mul3A_169 = vector.broadcast %mul3A_168 : i32 to vector<16xi32>
      %mul3A_170 = arith.muli %iota3A, %mul3A_169 : vector<16xi32>
      %add3A_171 = vector.broadcast %mul3A_167 : i32 to vector<16xi32>
      %add3A_172 = arith.addi %add3A_171, %mul3A_170 : vector<16xi32>
      %add3A_173 = arith.constant 9 : i32
      %add3A_174 = vector.broadcast %add3A_173 : i32 to vector<16xi32>
      %add3A_175 = arith.addi %add3A_172, %add3A_174 : vector<16xi32>
      %gather3A_176 = tpu.vector_load_idx %arg12[%add3A_175] : memref<2048xi32, #tpu.memory_space<vmem>>[vector<16xi32>], vector<16xi32>,
      %add3A_177 = arith.addi %add3A_165, %gather3A_176 : vector<16xi32>
      %mul3A_178 = arith.constant 256 : i32
      %mul3A_179 = arith.muli %scan3A_58, %mul3A_178 : i32
      %mul3A_180 = arith.constant 16 : i32
      %mul3A_181 = vector.broadcast %mul3A_180 : i32 to vector<16xi32>
      %mul3A_182 = arith.muli %iota3A, %mul3A_181 : vector<16xi32>
      %add3A_183 = vector.broadcast %mul3A_179 : i32 to vector<16xi32>
      %add3A_184 = arith.addi %add3A_183, %mul3A_182 : vector<16xi32>
      %add3A_185 = arith.constant 10 : i32
      %add3A_186 = vector.broadcast %add3A_185 : i32 to vector<16xi32>
      %add3A_187 = arith.addi %add3A_184, %add3A_186 : vector<16xi32>
      %gather3A_188 = tpu.vector_load_idx %arg12[%add3A_187] : memref<2048xi32, #tpu.memory_space<vmem>>[vector<16xi32>], vector<16xi32>,
      %add3A_189 = arith.addi %add3A_177, %gather3A_188 : vector<16xi32>
      %mul3A_190 = arith.constant 256 : i32
      %mul3A_191 = arith.muli %scan3A_58, %mul3A_190 : i32
      %mul3A_192 = arith.constant 16 : i32
      %mul3A_193 = vector.broadcast %mul3A_192 : i32 to vector<16xi32>
      %mul3A_194 = arith.muli %iota3A, %mul3A_193 : vector<16xi32>
      %add3A_195 = vector.broadcast %mul3A_191 : i32 to vector<16xi32>
      %add3A_196 = arith.addi %add3A_195, %mul3A_194 : vector<16xi32>
      %add3A_197 = arith.constant 11 : i32
      %add3A_198 = vector.broadcast %add3A_197 : i32 to vector<16xi32>
      %add3A_199 = arith.addi %add3A_196, %add3A_198 : vector<16xi32>
      %gather3A_200 = tpu.vector_load_idx %arg12[%add3A_199] : memref<2048xi32, #tpu.memory_space<vmem>>[vector<16xi32>], vector<16xi32>,
      %add3A_201 = arith.addi %add3A_189, %gather3A_200 : vector<16xi32>
      %mul3A_202 = arith.constant 256 : i32
      %mul3A_203 = arith.muli %scan3A_58, %mul3A_202 : i32
      %mul3A_204 = arith.constant 16 : i32
      %mul3A_205 = vector.broadcast %mul3A_204 : i32 to vector<16xi32>
      %mul3A_206 = arith.muli %iota3A, %mul3A_205 : vector<16xi32>
      %add3A_207 = vector.broadcast %mul3A_203 : i32 to vector<16xi32>
      %add3A_208 = arith.addi %add3A_207, %mul3A_206 : vector<16xi32>
      %add3A_209 = arith.constant 12 : i32
      %add3A_210 = vector.broadcast %add3A_209 : i32 to vector<16xi32>
      %add3A_211 = arith.addi %add3A_208, %add3A_210 : vector<16xi32>
      %gather3A_212 = tpu.vector_load_idx %arg12[%add3A_211] : memref<2048xi32, #tpu.memory_space<vmem>>[vector<16xi32>], vector<16xi32>,
      %add3A_213 = arith.addi %add3A_201, %gather3A_212 : vector<16xi32>
      %mul3A_214 = arith.constant 256 : i32
      %mul3A_215 = arith.muli %scan3A_58, %mul3A_214 : i32
      %mul3A_216 = arith.constant 16 : i32
      %mul3A_217 = vector.broadcast %mul3A_216 : i32 to vector<16xi32>
      %mul3A_218 = arith.muli %iota3A, %mul3A_217 : vector<16xi32>
      %add3A_219 = vector.broadcast %mul3A_215 : i32 to vector<16xi32>
      %add3A_220 = arith.addi %add3A_219, %mul3A_218 : vector<16xi32>
      %add3A_221 = arith.constant 13 : i32
      %add3A_222 = vector.broadcast %add3A_221 : i32 to vector<16xi32>
      %add3A_223 = arith.addi %add3A_220, %add3A_222 : vector<16xi32>
      %gather3A_224 = tpu.vector_load_idx %arg12[%add3A_223] : memref<2048xi32, #tpu.memory_space<vmem>>[vector<16xi32>], vector<16xi32>,
      %add3A_225 = arith.addi %add3A_213, %gather3A_224 : vector<16xi32>
      %mul3A_226 = arith.constant 256 : i32
      %mul3A_227 = arith.muli %scan3A_58, %mul3A_226 : i32
      %mul3A_228 = arith.constant 16 : i32
      %mul3A_229 = vector.broadcast %mul3A_228 : i32 to vector<16xi32>
      %mul3A_230 = arith.muli %iota3A, %mul3A_229 : vector<16xi32>
      %add3A_231 = vector.broadcast %mul3A_227 : i32 to vector<16xi32>
      %add3A_232 = arith.addi %add3A_231, %mul3A_230 : vector<16xi32>
      %add3A_233 = arith.constant 14 : i32
      %add3A_234 = vector.broadcast %add3A_233 : i32 to vector<16xi32>
      %add3A_235 = arith.addi %add3A_232, %add3A_234 : vector<16xi32>
      %gather3A_236 = tpu.vector_load_idx %arg12[%add3A_235] : memref<2048xi32, #tpu.memory_space<vmem>>[vector<16xi32>], vector<16xi32>,
      %add3A_237 = arith.addi %add3A_225, %gather3A_236 : vector<16xi32>
      %mul3A_238 = arith.constant 256 : i32
      %mul3A_239 = arith.muli %scan3A_58, %mul3A_238 : i32
      %mul3A_240 = arith.constant 16 : i32
      %mul3A_241 = vector.broadcast %mul3A_240 : i32 to vector<16xi32>
      %mul3A_242 = arith.muli %iota3A, %mul3A_241 : vector<16xi32>
      %add3A_243 = vector.broadcast %mul3A_239 : i32 to vector<16xi32>
      %add3A_244 = arith.addi %add3A_243, %mul3A_242 : vector<16xi32>
      %add3A_245 = arith.constant 15 : i32
      %add3A_246 = vector.broadcast %add3A_245 : i32 to vector<16xi32>
      %add3A_247 = arith.addi %add3A_244, %add3A_246 : vector<16xi32>
      %gather3A_248 = tpu.vector_load_idx %arg12[%add3A_247] : memref<2048xi32, #tpu.memory_space<vmem>>[vector<16xi32>], vector<16xi32>,
      %add3A_249 = arith.addi %add3A_237, %gather3A_248 : vector<16xi32>
      %mul3A_250 = arith.constant 16 : i32
      %mul3A_251 = arith.muli %scan3A_58, %mul3A_250 : i32
      %add3A_252 = arith.constant 256 : i32
      %add3A_253 = arith.addi %add3A_252, %mul3A_251 : i32
      %swap3A = arith.index_cast %add3A_253 : i32 to index
      %swap3A_254 = tpu.vector_load %arg13[%swap3A] {strides = array<i32>} : memref<384xi32, #tpu.memory_space<vmem>>, vector<16xi32>,
      tpu.vector_store %arg13[%swap3A], %add3A_249 {strides = array<i32>} : memref<384xi32, #tpu.memory_space<vmem>>, vector<16xi32>,
    }
    %scan3A_57 = arith.constant 8 : i32
    "tpu.region"() ({
      %run_scoped3A = tpu.sem_alloc : memref<!tpu.dma_semaphore, #tpu.memory_space<semaphore_mem>>
      %dma_start3A_58 = arith.constant 0 : i32
      %dma_start3A_59 = tpu.memref_slice %arg4[%add3A, %dma_start3A_58] : memref<32x384xi32, #tpu.memory_space<hbm>> -> memref<1x384xi32, #tpu.memory_space<hbm>>
      %dma_start3A_60 = tpu.memref_squeeze %dma_start3A_59 : memref<1x384xi32, #tpu.memory_space<hbm>> -> memref<384xi32, #tpu.memory_space<hbm>>
      %dma_start3A_61 = arith.constant 0 : i32
      %dma_start3A_62 = tpu.memref_slice %arg4[%add3A, %dma_start3A_61] : memref<32x384xi32, #tpu.memory_space<hbm>> -> memref<1x384xi32, #tpu.memory_space<hbm>>
      %dma_start3A_63 = tpu.memref_squeeze %dma_start3A_62 : memref<1x384xi32, #tpu.memory_space<hbm>> -> memref<384xi32, #tpu.memory_space<hbm>>
      tpu.enqueue_dma source(%arg13 : memref<384xi32, #tpu.memory_space<vmem>>) target(%dma_start3A_63 : memref<384xi32, #tpu.memory_space<hbm>>) target_semaphore(%run_scoped3A : memref<!tpu.dma_semaphore, #tpu.memory_space<semaphore_mem>>)
      %dma_wait3A = arith.constant 0 : i32
      %dma_wait3A_64 = tpu.memref_slice %arg4[%add3A, %dma_wait3A] : memref<32x384xi32, #tpu.memory_space<hbm>> -> memref<1x384xi32, #tpu.memory_space<hbm>>
      %dma_wait3A_65 = tpu.memref_squeeze %dma_wait3A_64 : memref<1x384xi32, #tpu.memory_space<hbm>> -> memref<384xi32, #tpu.memory_space<hbm>>
      %dma_wait3A_66 = arith.constant 0 : i32
      %dma_wait3A_67 = tpu.memref_slice %arg4[%add3A, %dma_wait3A_66] : memref<32x384xi32, #tpu.memory_space<hbm>> -> memref<1x384xi32, #tpu.memory_space<hbm>>
      %dma_wait3A_68 = tpu.memref_squeeze %dma_wait3A_67 : memref<1x384xi32, #tpu.memory_space<hbm>> -> memref<384xi32, #tpu.memory_space<hbm>>
      tpu.wait_dma2 semaphore(%run_scoped3A : memref<!tpu.dma_semaphore, #tpu.memory_space<semaphore_mem>>) src(%arg13 : memref<384xi32, #tpu.memory_space<vmem>>) dst(%dma_wait3A_68 : memref<384xi32, #tpu.memory_space<hbm>>)
      tpu.yield
    }) : () -> ()
    return
  }
}

module attributes {stable_mosaic.version = 14 : i64} {
  func.func @_iou_epilogue(%arg0: memref<32x384xi32, #tpu.memory_space<vmem>>, %arg1: memref<1x1xf32, #tpu.memory_space<smem>>, %arg2: memref<1x1xf32, #tpu.memory_space<vmem>>) attributes {dimension_semantics = [], scalar_prefetch = 0 : i64, scratch_operands = 0 : i64, tpu.core_type = #tpu.core_type<tc>} {
    %get3A = arith.constant 0 : index
    %get3A_0 = arith.constant 0 : index
    %get3A_1 = vector.load %arg0[%get3A, %get3A_0] : memref<32x384xi32, #tpu.memory_space<vmem>>, vector<32x384xi32>
    %convert_element_type3A = arith.sitofp %get3A_1 : vector<32x384xi32> to vector<32x384xf32>
    %reduce_sum3A = arith.constant dense<0.000000e+00> : vector<384xf32>
    %reduce_sum3A_2 = vector.multi_reduction <add>, %convert_element_type3A, %reduce_sum3A [0] : vector<32x384xf32> to vector<384xf32>
    %broadcast_in_dim3A = vector.shape_cast %reduce_sum3A_2 : vector<384xf32> to vector<1x384xf32>
    %slice3A = vector.extract_strided_slice %broadcast_in_dim3A {offsets = [0, 0], sizes = [1, 128], strides = [1, 1]} : vector<1x384xf32> to vector<1x128xf32>
    %slice3A_3 = vector.extract_strided_slice %broadcast_in_dim3A {offsets = [0, 128], sizes = [1, 128], strides = [1, 1]} : vector<1x384xf32> to vector<1x128xf32>
    %slice3A_4 = vector.extract_strided_slice %broadcast_in_dim3A {offsets = [0, 256], sizes = [1, 128], strides = [1, 1]} : vector<1x384xf32> to vector<1x128xf32>
    %add3A = arith.addf %slice3A, %slice3A_4 : vector<1x128xf32>
    %sub3A = arith.subf %add3A, %slice3A_3 : vector<1x128xf32>
    %ne3A = arith.constant 0.000000e+00 : f32
    %ne3A_5 = vector.broadcast %ne3A : f32 to vector<1x128xf32>
    %ne3A_6 = arith.cmpf one, %sub3A, %ne3A_5 : vector<1x128xf32>
    %convert_element_type3A_7 = arith.extui %ne3A_6 : vector<1x128xi1> to vector<1x128xi32>
    %convert_element_type3A_8 = arith.sitofp %convert_element_type3A_7 : vector<1x128xi32> to vector<1x128xf32>
    %get3A_9 = arith.constant 0 : index
    %get3A_10 = arith.constant 0 : index
    %get3A_11 = memref.load %arg1[%get3A_9, %get3A_10] : memref<1x1xf32, #tpu.memory_space<smem>>
    %add3A_12 = vector.broadcast %get3A_11 : f32 to vector<1x128xf32>
    %add3A_13 = arith.addf %slice3A_3, %add3A_12 : vector<1x128xf32>
    %add3A_14 = vector.broadcast %get3A_11 : f32 to vector<1x128xf32>
    %add3A_15 = arith.addf %sub3A, %add3A_14 : vector<1x128xf32>
    %div3A = arith.divf %add3A_13, %add3A_15 : vector<1x128xf32>
    %reduce_sum3A_16 = vector.shape_cast %convert_element_type3A_8 : vector<1x128xf32> to vector<1x1x128xf32>
    %reduce_sum3A_17 = arith.constant dense<0.000000e+00> : vector<1xf32>
    %reduce_sum3A_18 = vector.multi_reduction <add>, %reduce_sum3A_16, %reduce_sum3A_17 [1, 2] : vector<1x1x128xf32> to vector<1xf32>
    %reduce_sum3A_19 = vector.shape_cast %reduce_sum3A_18 : vector<1xf32> to vector<1x1x1xf32>
    %reduce_sum3A_20 = vector.extract %reduce_sum3A_19[0, 0, 0] : f32 from vector<1x1x1xf32>
    %broadcast_in_dim3A_21 = vector.broadcast %reduce_sum3A_20 : f32 to vector<1x1xf32>
    %mul3A = arith.mulf %div3A, %convert_element_type3A_8 : vector<1x128xf32>
    %reduce_sum3A_22 = vector.shape_cast %mul3A : vector<1x128xf32> to vector<1x1x128xf32>
    %reduce_sum3A_23 = arith.constant dense<0.000000e+00> : vector<1xf32>
    %reduce_sum3A_24 = vector.multi_reduction <add>, %reduce_sum3A_22, %reduce_sum3A_23 [1, 2] : vector<1x1x128xf32> to vector<1xf32>
    %reduce_sum3A_25 = vector.shape_cast %reduce_sum3A_24 : vector<1xf32> to vector<1x1x1xf32>
    %reduce_sum3A_26 = vector.extract %reduce_sum3A_25[0, 0, 0] : f32 from vector<1x1x1xf32>
    %broadcast_in_dim3A_27 = vector.broadcast %reduce_sum3A_26 : f32 to vector<1x1xf32>
    %div3A_28 = arith.divf %broadcast_in_dim3A_27, %broadcast_in_dim3A_21 : vector<1x1xf32>
    %swap3A = arith.constant 0 : index
    %swap3A_29 = arith.constant 0 : index
    %swap3A_30 = vector.load %arg2[%swap3A, %swap3A_29] : memref<1x1xf32, #tpu.memory_space<vmem>>, vector<1x1xf32>
    tpu.vector_store %arg2[%swap3A, %swap3A_29], %div3A_28 {strides = array<i32>} : memref<1x1xf32, #tpu.memory_space<vmem>>, vector<1x1xf32>,
    return
  }
}

</mosaic_0001>

<sc_bundles>
// kernel: kernel.4.cloned.1.call-start
scs
__scs_entry_jumppad:
0x0: {  	(pc) =	sbr.rel $0x88, $3  }
0x1: {  	(tag) =	ssettag $0x0;
	lr =	simm.s32 $0x1  }
0x2: {  	[smem:$0x3F9E] =	sst lr;
	_ =	strace $0xD0000000  }
0x3: {  	_ = 	snop  }
0x4: {  	_ = 	snop  }
0x5: {  	_ = 	snop  }
0x6: {  	_ = 	snop  }
0x7: {  	_ = 	snop  }
__scs_overlays_trampoline_lowered:
0x8: {  	[smem:$0x3FAD] =	sst s0  }
0x9: {  	[smem:$0x3FAE] =	sst s1  }
0xa: {  	[smem:$0x3FAF] =	sst s2  }
0xb: {  	[smem:$0x3FB0] =	sst s3  }
0xc: {  	[smem:$0x3FB1] =	sst s4  }
0xd: {  	[smem:$0x3FB2] =	sst s5  }
0xe: {  	[smem:$0x3FB3] =	sst s6  }
0xf: {  	[smem:$0x3FB4] =	sst s7  }
0x10: {  	[smem:$0x3FB5] =	sst s8  }
0x11: {  	[smem:$0x3FB6] =	sst s9;
	s0 =	simm.s32 @!p0 $0x0  }
0x12: {  	s1 =	sld [smem:$0x3F9C];
	s0 =	simm.s32 @p0 $0x1  }
0x13: {  	[smem:$0x3FB7] =	sst s0;
	s0 =	simm.s32 @!p1 $0x0  }
0x14: {  	s2 =	sld [smem:$0x3F9B];
	s0 =	simm.s32 @p1 $0x1  }
0x15: {  	[smem:$0x3FB8] =	sst s0;
	s0 =	simm.s32 @!p2 $0x0  }
0x16: {  	s3 =	sld [smem:$0x3FDB];
	s0 =	simm.s32 @p2 $0x1  }
0x17: {  	s4 =	simm.s32 $0x1BF5;
	[smem:$0x3FBA] =	sst s0  }
0x18: {  	s0 =	sld [smem:$0x3F9D];
	_ =	swait.ge [sflag:s4], $0x0  }
0x19: {  	s7 =	sld [smem:$0x3F9E]  }
0x1a: {  	s8 =	sadd.s32 $0xFFFFE003, lr  }
0x1b: {  	s9 =	sadd.s32 $0xFFFFFEF7, lr;
	s5 =	simm.s32 $0xFFFFFFFF;
	p2 =	slt.u32 s8, $0xFFFFF086  }
0x1c: {  	p1 =	slt.u32 s9, $0xF7A;
	s5 =	simm.s32 @!p2 $0x0  }
0x1d: {  	s5 =	simm.s32 @p1 $0x1;
	p0 =	seq.s32 s7, s2  }
0x1e: {  	s7 =	smul.u32 @!p0 $0xF7A, s2;
	p2 =	seq.s32 @!p0 s5, $0x0  }
0x1f: {  	s9 =	smul.u32 $0xF7A, s1;
	s8 =	simm.s32 @!p0 $0x1BF5;
	p2 =	por !p2, p0  }
0x20: {  	[sflag:s8] =	ssyncset.s32 @!p0 $0xFFFFF086;
	s6 =	sadd.s32 @!p0 s3, s7;
	s7 =	simm.s32 @!p0 $0x108  }
0x21: {  	s3 =	sadd.s32 s3, s9;
	s6 =	sadd.s32 @!p0 $0x88, s6;
	s7 =	simm.s32 @p2 $0x1082  }
0x22: {  	[simem:s7], [sflag:s8] =	dma.local @!p0 [hbm:s6], $0xF7A  }
0x23: {  	s9 =	sor.u32 $0xD0000000, s2;
	s6 =	simm.s32 $0x108;
	_ =	swait.ge @!p0 [sflag:s8], $0x0  }
0x24: {  	s3 =	sadd.s32 $0x88, s3;
	s6 =	simm.s32 @!p1 $0x1082;
	[sflag:s4] =	ssyncset.s32 $0xFFFFF086  }
0x25: {  	[simem:s6], [sflag:s4] =	dma.local [hbm:s3], $0xF7A  }
0x26: {  	[smem:$0x3F9E] =	sst s1;
	(tag) =	ssettag s2;
	_ =	strace s9  }
0x27: {  	s1 =	sld [smem:$0x3FAE]  }
0x28: {  	s2 =	sld [smem:$0x3FAF]  }
0x29: {  	s4 =	sld [smem:$0x3FB1]  }
0x2a: {  	p0 =	seq.s32 s5, $0x0;
	s5 =	sld [smem:$0x3FB2]  }
0x2b: {  	s6 =	sld [smem:$0x3FB3]  }
0x2c: {  	s7 =	sld [smem:$0x3FB4]  }
0x2d: {  	s3 =	simm.s32 $0x108;
	s8 =	sld [smem:$0x3FB5]  }
0x2e: {  	s3 =	simm.s32 @!p0 $0x1082;
	s9 =	sld [smem:$0x3FB6]  }
0x2f: {  	lr =	sadd.s32 s0, s3;
	s0 =	sld [smem:$0x3FAD]  }
0x30: {  	s3 =	sld [smem:$0x3FB0]  }
0x31: {  	[smem:$0x3FB9] =	sst s10  }
0x32: {  	s10 =	sld [smem:$0x3FB7];
	_ =	sdelay $0x3  }
0x33: {  	p0 =	seq.s32 s10, $0x1;
	s10 =	sld [smem:$0x3FB9];
	_ =	sdelay $0x3  }
0x34: {  	[smem:$0x3FB9] =	sst s10  }
0x35: {  	s10 =	sld [smem:$0x3FB8];
	_ =	sdelay $0x3  }
0x36: {  	p1 =	seq.s32 s10, $0x1;
	s10 =	sld [smem:$0x3FB9];
	_ =	sdelay $0x3  }
0x37: {  	[smem:$0x3FB9] =	sst s10  }
0x38: {  	s10 =	sld [smem:$0x3FBA]  }
0x39: {  	_ = 	snop;
	(pc) =	sbr.ind lr, $3  }
0x3a: {  	_ = 	snop  }
0x3b: {  	_ = 	snop  }
0x3c: {  	p2 =	seq.s32 s10, $0x1;
	s10 =	sld [smem:$0x3FB9]  }
0x3d: {  	_ =	shalt  }
0x3e: {  	_ =	shalt  }
0x3f: {  	_ =	shalt  }
0x40: {  	_ =	shalt  }
0x41: {  	_ =	shalt  }
0x42: {  	_ =	shalt  }
0x43: {  	_ =	shalt  }
0x44: {  	_ =	shalt  }
0x45: {  	_ =	shalt  }
0x46: {  	_ =	shalt  }
0x47: {  	_ =	shalt  }
0x48: {  	_ =	shalt  }
0x49: {  	_ =	shalt  }
0x4a: {  	_ =	shalt  }
0x4b: {  	_ =	shalt  }
0x4c: {  	_ =	shalt  }
0x4d: {  	_ =	shalt  }
0x4e: {  	_ =	shalt  }
0x4f: {  	_ =	shalt  }
0x50: {  	_ =	shalt  }
0x51: {  	_ =	shalt  }
0x52: {  	_ =	shalt  }
0x53: {  	_ =	shalt  }
0x54: {  	_ =	shalt  }
0x55: {  	_ =	shalt  }
0x56: {  	_ =	shalt  }
0x57: {  	_ =	shalt  }
0x58: {  	_ =	shalt  }
0x59: {  	_ =	shalt  }
0x5a: {  	_ =	shalt  }
0x5b: {  	_ =	shalt  }
0x5c: {  	_ =	shalt  }
0x5d: {  	_ =	shalt  }
0x5e: {  	_ =	shalt  }
0x5f: {  	_ =	shalt  }
0x60: {  	_ =	shalt  }
0x61: {  	_ =	shalt  }
0x62: {  	_ =	shalt  }
0x63: {  	_ =	shalt  }
0x64: {  	_ =	shalt  }
0x65: {  	_ =	shalt  }
0x66: {  	_ =	shalt  }
0x67: {  	_ =	shalt  }
0x68: {  	_ =	shalt  }
0x69: {  	_ =	shalt  }
0x6a: {  	_ =	shalt  }
0x6b: {  	_ =	shalt  }
0x6c: {  	_ =	shalt  }
0x6d: {  	_ =	shalt  }
0x6e: {  	_ =	shalt  }
0x6f: {  	_ =	shalt  }
0x70: {  	_ =	shalt  }
0x71: {  	_ =	shalt  }
0x72: {  	_ =	shalt  }
0x73: {  	_ =	shalt  }
0x74: {  	_ =	shalt  }
0x75: {  	_ =	shalt  }
0x76: {  	_ =	shalt  }
0x77: {  	_ =	shalt  }
0x78: {  	_ =	shalt  }
0x79: {  	_ =	shalt  }
0x7a: {  	_ =	shalt  }
0x7b: {  	_ =	shalt  }
0x7c: {  	_ =	shalt  }
0x7d: {  	_ =	shalt  }
0x7e: {  	_ =	shalt  }
0x7f: {  	_ =	shalt  }
0x80: {  	_ =	shalt  }
0x81: {  	_ =	shalt  }
0x82: {  	_ =	shalt  }
0x83: {  	_ =	shalt  }
0x84: {  	_ =	shalt  }
0x85: {  	_ =	shalt  }
0x86: {  	_ =	shalt  }
0x87: {  	_ =	shalt  }
.Lfunc_end0:
.L_simem_size_0:
called_computation_lowered:
.L_overlay_start_0:
0x88: {  	s2 =	sld [smem:$0x3FD9]  }
0x89: {  	s3 =	sld [smem:$0x3FFE];
	_ =	sdelay $0x1  }
0x8a: {  	s1 =	srdreg.scid  }
0x8b: {  	s0 =	sand.u32 $0x1, s1  }
0x8c: {  	s17 =	sshll.u32 s0, $0xA;
	s2 =	sadd.s32 s3, s2  }
0x8d: {  	s2 =	sadd.s32 s2, s17  }
0x8e: {  	[smem:$0x3FC5] =	sst s2  }
0x8f: {  	_ = 	snop  }
0x90: {  	s2 =	sld [smem:$0x3FC9]  }
0x91: {  	s18 =	sld [smem:$0x3FC8];
	(tm) =	ssettm $0x1  }
0x92: {  	s4 =	sld [smem:$0x3FFB];
	_ =	sdelay $0x3  }
0x93: {  	_ =	strace s4  }
0x94: {  	s4 =	sld [smem:$0x3FFC];
	_ =	sdelay $0x3  }
0x95: {  	_ =	strace s4  }
0x96: {  	s4 =	sld [smem:$0x3FFD];
	_ =	sdelay $0x3  }
0x97: {  	_ =	strace s4  }
0x98: {  	_ =	strace $0x8FFFFFFF  }
0x99: {  	s19 =	sld [smem:$0x3FDB];
	_ =	sdelay $0x1  }
0x9a: {  	s5 =	simm.s32 $_scs_section_size  }
0x9b: {  	s6 =	simm.s32 $_size__tile_overlayer_lowered;
	s7 =	simm.s32 $_tile_overlayer_lowered  }
0x9c: {  	s22 =	simm.s32 $0x1BFF;
	s21 =	sshll.u32 s7, $0x1;
	s4 =	sadd.s32 s5, s19  }
0x9d: {  	s8 =	simm.s32 $0x0;
	s20 =	sshll.u32 s6, $0x1;
	s6 =	sadd.s32 s21, s4  }
0x9e: {  	[timem:s8], [sflag:s22] =	dma.local [hbm:s6], s20  }
0x9f: {  	_ =	swait.ge [sflag:s22], s20  }
0xa0: {  	s5 =	ssub.s32 $0x0, s20;
	[sflag:s22] =	ssyncset.done $0x0  }
0xa1: {  	[sflag:s22] =	ssyncadd.s32 s5;
	_ =	sdelay $0x1  }
0xa2: {  	s23 =	simm.s32 $0x1B8B  }
0xa3: {  	_ =	swait.ge [sflag:s23], $0x1  }
0xa4: {  	[sflag:s23] =	ssyncset.done $0x0  }
0xa5: {  	s25 =	simm.s32 $0x1B8E;
	s24 =	sld [smem:$0x3FFE];
	[sflag:s23] =	ssyncadd.s32 $0xFFFFFFFF  }
0xa6: {  	s26 =	simm.s32 $execute0_lowered;
	[smem:$0x3FD2] =	sst s25  }
0xa7: {  	s6 =	sshll.u32 s26, $0x1;
	_ =	strace $0x80000046;
	[dreg:$0x1] =	wrdreg $0xFFFFFFFF  }
0xa8: {  	s28 =	simm.s32 $_size_execute0_lowered;
	s4 =	sadd.s32 s4, s6;
	[dreg:$0x0] =	wrdreg $0x0  }
0xa9: {  	s6 =	sshll.u32 s28, $0x1;
	[dreg:$0x2] =	wrdreg s4  }
0xaa: {  	[dreg:$0x3] =	wrdreg s6  }
0xab: {  	[dreg:$0x4] =	wrdreg $0xC0  }
0xac: {  	_ =	task [dreg:s8], $0x5FFFF  }
0xad: {  	[dreg:$0x1] =	wrdreg $0xFFFFFFFF  }
0xae: {  	[dreg:$0x0] =	wrdreg $0x60  }
0xaf: {  	[dreg:$0x2] =	wrdreg s2  }
0xb0: {  	[dreg:$0x3] =	wrdreg s18  }
0xb1: {  	[dreg:$0x4] =	wrdreg s24  }
0xb2: {  	[dreg:$0x5] =	wrdreg $0x9  }
0xb3: {  	_ =	task.clear_ibuf [dreg:s8], $0x6FFFF;
	_ =	strace $0x90000046  }
0xb4: {  	s29 =	simm.s32 $0x9;
	_ =	strace $0x80000048  }
0xb5: {  	_ =	swait.ge [sflag:s29], $0x1  }
0xb6: {  	[sflag:s29] =	ssyncadd.s32 $0xFFFFFFFF  }
0xb7: {  	_ =	strace $0x90000048  }
0xb8: {  	_ =	sfence  }
0xb9: {  	s30 =	sld [smem:$0x0];
	_ =	sdelay $0x2  }
0xba: {  	s31 =	sshll.u32 s1, $0xD;
	s1 =	sshrl.u32 s1, $0x2  }
0xbb: {  	s3 =	sand.u32 $0x4000, s31;
	s1 =	sadd.s32 s1, s30  }
0xbc: {  	s0 =	sor.u32 s3, s0;
	s1 =	sshll.u32 s1, $0x11  }
0xbd: {  	s0 =	sor.u32 s1, s0  }
0xbe: {  	s0 =	sadd.s32 $0x8F2B, s0  }
0xbf: {  	[sflag:s0] =	ssyncadd.remote.s32 $0x1  }
0xc0: {  	_ =	sfence.sel $0xFFFF  }
0xc1: {  	[dreg:$0x0] =	wrdreg $0xFFFFFFFF;
	(pc) =	sbr.abs _section_cstart, $3  }
0xc2: {  	[dreg:$0x1] =	wrdreg $0xFFFFFFFF  }
0xc3: {  	_ =	task.clear_ibuf [dreg:s8], $0x2FFFF;
	_ =	strace $0x9FFFFFFF  }
0xc4: {  	(tm) =	ssettm $0x7FFFFFFF  }
0xc5: {  	_ =	shalt  }
tec
execute0_lowered:
.L_overlay_start_1:
0x0: {  	(tag) =	ssettag $0x1  }
0x1: {  	v0 =	vimm.f32 $5.242889380e+05;
	vm0 =	vcmask $0x300  }
0x2: {  	vm14 =	vcmask $0x704;
	v0 =	vsel vm0, $0x49000000, v0  }
0x3: {  	vm15 =	vcmask $0xB08;
	v0 =	vsel vm14, $0x49000001, v0  }
0x4: {  	vm4 =	vcmask $0xF0C;
	v0 =	vsel vm15, $0x49000002, v0  }
0x5: {  	vm5 =	vcmask $0x1310;
	v0 =	vsel vm4, $0x49000003, v0  }
0x6: {  	vm6 =	vcmask $0x1714;
	v0 =	vsel vm5, $0x49000004, v0  }
0x7: {  	vm7 =	vcmask $0x1B18;
	v0 =	vsel vm6, $0x49000005, v0  }
0x8: {  	s1 =	srdreg.scid;
	vm8 =	vcmask $0x1F1C;
	v0 =	vsel vm7, $0x49000006, v0  }
0x9: {  	s0 =	stileid.u32;
	vm9 =	vcmask $0x2320;
	s8 =	rddreg [dreg:$0x2];
	v0 =	vsel vm8, $0x49000007, v0  }
0xa: {  	vm10 =	vcmask $0x2724;
	s4 =	simm.s32 $0x0;
	s10 =	simm.s32 $0x4000;
	s11 =	simm.s32 $0x1;
	v1 =	vsel vm9, $0x49000008, v0  }
0xb: {  	vm11 =	vcmask $0x2B28;
	v2 =	vlaneseq.u32;
	s12 =	simm.s32 $0x8000;
	s13 =	simm.s32 $0xC000;
	s14 =	simm.s32 $0x10000;
	v1 =	vsel vm10, $0x49000009, v1  }
0xc: {  	vm12 =	vcmask $0x2F2C;
	s15 =	simm.s32 $0x10800;
	s16 =	simm.s32 $0x2;
	s17 =	simm.s32 $0x80;
	v3 =	vand.u32 $0x7, v2;
	v1 =	vsel vm11, $0x4900000A, v1  }
0xd: {  	vm13 =	vcmask $0x3330;
	s18 =	simm.s32 $0x400;
	s19 =	simm.s32 $0x11000;
	s20 =	simm.s32 $0x3;
	v4 =	vmul.u32 $0x10, v3;
	v1 =	vsel vm12, $0x4900000B, v1  }
0xe: {  	s5 =	sand.u32 $0x1, s1;
	s2 =	sshll.u32 s0, $0x1;
	s1 =	rddreg [dreg:$0x0];
	vm14 =	vcmask $0x3734;
	vm15 =	vcmask $0x3B38;
	v1 =	vsel vm13, $0x4900000C, v1  }
0xf: {  	s3 =	sshrl.u32 s0, $0x2;
	[smem:$0x7FF] =	sst s4;
	s6 =	sor.u32 s5, s2;
	v4 =	vor.u32 $0xFFFFFF80, v4;
	v3 =	vsel vm14, $0x4900000D, v1;
	v1 =	vmul.u32 $0x10, v2  }
0x10: {  	s2 =	rddreg [dreg:$0x1];
	s7 =	smul.u32 $0xC00, s3;
	s28 =	sshll.u32 s6, $0x7;
	v0 =	vimm.s32 $0x0;
	v2 =	vimm.s32 $0x1;
	v3 =	vsel vm15, $0x4900000E, v3  }
0x11: {  	s3 =	rddreg [dreg:$0x3];
	s5 =	ssub.s32 $0x2, s5;
	s9 =	sand.u32 $0x380, s28;
	v5 =	vor.u32 $0x1, v1;
	v6 =	vor.u32 $0x2, v1;
	v7 =	vor.u32 $0x3, v1  }
0x12: {  	_ =	strace $0x80000047;
	s29 =	sshrl.u32 s5, $0x1;
	s7 =	sor.u32 s7, s9;
	v8 =	vor.u32 $0x4, v1;
	v9 =	vor.u32 $0x5, v1;
	v10 =	vor.u32 $0x6, v1  }
0x13: {  	s31 =	sshll.u32 s6, $0x10;
	s30 =	ssub.s32 s5, s29;
	s7 =	sshrl.u32 s7, $0x3;
	v11 =	vor.u32 $0x7, v1;
	v12 =	vor.u32 $0x8, v1;
	v13 =	vor.u32 $0x9, v1  }
0x14: {  	s5 =	sshll.u32 s6, $0x1;
	s6 =	sadd.s32 s1, s31;
	s8 =	sadd.s32 s7, s8;
	v14 =	vor.u32 $0xA, v1;
	v15 =	vor.u32 $0xB, v1;
	v16 =	vor.u32 $0xC, v1  }
0x15: {  	s9 =	smax.u32 s30, $0x1;
	s7 =	sadd.s32 s2, s31;
	s8 =	sadd.s32 $0x600, s8;
	v17 =	vor.u32 $0xD, v1;
	v18 =	vor.u32 $0xE, v1;
	v19 =	vor.u32 $0xF, v1  }
.LBB2_1:
0x16: {  	s21 =	simm.s32 $0x0  }
.LBB2_2:
0x17: {  	p0 =	sne.s32 s21, $0x1FC0  }
.Ltmp0:
0x18: {  	_ = 	snop;
	(pc) =	sbr.rel @p0 .LBB2_2-.Ltmp0, $3  }
0x19: {  	_ =	sdelay $0x1  }
0x1a: {  	s22 =	sshra.s32 s21, $0x2  }
0x1b: {  	s21 =	sadd.s32 $0x40, s21;
	[tilespmem:s22+$0x10000] =	vst v0  }
0x1c: {  	s21 =	simm.s32 $0x40;
	s22 =	simm.s32 $0x0  }
.LBB2_4:
0x1d: {  	p0 =	sne.s32 s21, $0x1FC0;
	[tilespmem:s22+$0x10800] =	vst v0;
	s22 =	smov.u32 s21;
	s21 =	sadd.s32 $0x40, s21  }
.Ltmp1:
0x1e: {  	(pc) =	sbr.rel @p0 .LBB2_4-.Ltmp1, $2  }
0x1f: {  	_ =	sdelay $0x2  }
0x20: {  	s22 =	sshra.s32 s22, $0x2  }
0x21: {  	[tilespmem:s22+$0x10800] =	vst v0;
	s21 =	simm.s32 $0x0  }
0x22: {  	[tilespmem:s21], [sflag:$0x1] =	stream.linear.gather [hbm4b:s6+s21], $0x4000, $0x38;
	[tilespmem:$0x11180] =	vst v63  }
0x23: {  	s22 =	simm.s32 $0x0  }
0x24: {  	[tilespmem:s10], [sflag:$0x1] =	stream.linear.gather [hbm4b:s7+s21], $0x4000, $0x38;
	[tilespmem:$0x11180] =	vst v63  }
.LBB2_6:
0x25: {  	_ =	swait.ge [sflag:s11], $0x4000;
	s23 =	sshrl.u32 s22, $0x3  }
0x26: {  	s24 =	sshll.u32 s22, $0xC;
	[sflag:s11] =	ssyncset.done $0x0;
	s23 =	sadd.s32 s5, s23  }
0x27: {  	s24 =	sand.u32 $0x7000, s24;
	[sflag:s11] =	ssyncadd.s32 $0xFFFFC000;
	s23 =	sshll.u32 s23, $0xF  }
0x28: {  	_ =	swait.ge [sflag:s11], $0x4000;
	s23 =	sor.u32 s23, s24  }
0x29: {  	[sflag:s11] =	ssyncset.done $0x0;
	s23 =	sor.u32 $0x800, s23  }
0x2a: {  	[sflag:s11] =	ssyncadd.s32 $0xFFFFC000;
	s31 =	sadd.s32 s1, s23  }
0x2b: {  	[tilespmem:s12], [sflag:$0x2] =	stream.linear.gather [hbm4b:s31+s21], $0x4000, $0x38;
	[tilespmem:$0x11180] =	vst v63  }
0x2c: {  	s25 =	simm.s32 $0x0;
	s23 =	sadd.s32 s2, s23  }
0x2d: {  	[tilespmem:s13], [sflag:$0x2] =	stream.linear.gather [hbm4b:s23+s21], $0x4000, $0x38;
	[tilespmem:$0x11180] =	vst v63  }
0x2e: {  	s26 =	sand.u32 $0xC00, s21;
	s23 =	sand.u32 $0x3000, s25;
	s25 =	simm.s32 $0x0  }
0x2f: {  	s23 =	sor.u32 s26, s23;
	s28 =	sand.u32 $0x380, s25  }
0x30: {  	s29 =	sand.u32 $0x60, s21;
	s23 =	sor.u32 s28, s23  }
0x31: {  	s23 =	sor.u32 s29, s23  }
0x32: {  	v21 =	vld [tilespmem:s23+$0x10]  }
0x33: {  	v23 =	vld [tilespmem:s23+$0x4010]  }
0x34: {  	v22 =	vld [tilespmem:s23+$0x0]  }
0x35: {  	s30 =	simm.s32 $0x20;
	v25 =	vld [tilespmem:s23+$0x4000];
	s23 =	simm.s32 $0x100  }
0x36: {  	s24 =	sand.u32 $0x3000, s30;
	s26 =	simm.s32 $0x8;
	s31 =	sand.u32 $0xC00, s23  }
0x37: {  	s26 =	sand.u32 $0x380, s26;
	s25 =	sor.u32 s31, s24;
	s24 =	simm.s32 $0x20;
	v20 =	vadd.f32 v3, v21  }
0x38: {  	s28 =	sand.u32 $0x60, s24;
	s25 =	sor.u32 s26, s25;
	v26 =	vadd.f32 v3, v23  }
0x39: {  	s26 =	sor.u32 s28, s25;
	v27 =	vadd.f32 v3, v22;
	v24 =	vand.u32 $0x7FF, v20  }
0x3a: {  	vm0 =	veq.f32 v22, v25;
	v28 =	vadd.f32 v3, v25;
	v20 =	vld [tilespmem:s26+$0x10];
	v25 =	vand.u32 $0x7FF, v26  }
0x3b: {  	s25 =	simm.s32 $0x2;
	v22 =	vld [tilespmem:s26+$0x4010];
	v26 =	vsel vm0, $0x10001, v2;
	v27 =	vand.u32 $0x7FF, v27  }
.LBB2_7:
0x3c: {  	s25 =	sadd.s32 $0x2, s25;
	v29 =	vld [tilespmem:s26+$0x0];
	v28 =	vand.u32 $0x7FF, v28;
	vm0 =	veq.f32 v21, v23;
	s23 =	sadd.s32 $0x100, s23  }
0x3d: {  	s24 =	sadd.s32 $0x20, s24;
	s28 =	sshll.u32 s25, $0x4;
	p0 =	slt.u32 s25, $0x3FE;
	v30 =	vld [tilespmem:s26+$0x4000];
	v21 =	vsel vm0, $0x10001, v2  }
0x3e: {  	s29 =	sshll.u32 s25, $0x2;
	s26 =	sand.u32 $0x3000, s28;
	s28 =	sand.u32 $0xC00, s23;
	[tilespmem:v24+s14+$0x0] =	vst.idx.add.s32.msk $0xffff, v21  }
.Ltmp2:
0x3f: {  	s26 =	sor.u32 s28, s26;
	s28 =	sand.u32 $0x380, s29;
	v24 =	vadd.f32 v3, v20;
	[tilespmem:v25+s15+$0x0] =	vst.idx.add.s32.msk $0xffff, v2;
	(pc) =	sbr.rel @p0 .LBB2_7-.Ltmp2, $4  }
0x40: {  	s29 =	sand.u32 $0x60, s24;
	s26 =	sor.u32 s28, s26;
	v25 =	vadd.f32 v3, v22;
	[tilespmem:v27+s14+$0x0] =	vst.idx.add.s32.msk $0xffff, v26;
	v21 =	vmov v20;
	v23 =	vmov v22  }
0x41: {  	s26 =	sor.u32 s29, s26;
	v27 =	vadd.f32 v3, v29;
	v24 =	vand.u32 $0x7FF, v24;
	[tilespmem:v28+s15+$0x0] =	vst.idx.add.s32.msk $0xffff, v2  }
0x42: {  	v20 =	vld [tilespmem:s26+$0x10];
	vm0 =	veq.f32 v29, v30;
	v28 =	vadd.f32 v3, v30;
	v25 =	vand.u32 $0x7FF, v25  }
0x43: {  	v22 =	vld [tilespmem:s26+$0x4010];
	v26 =	vsel vm0, $0x10001, v2;
	v27 =	vand.u32 $0x7FF, v27  }
0x44: {  	v29 =	vld [tilespmem:s26+$0x0]  }
0x45: {  	v30 =	vld [tilespmem:s26+$0x4000];
	_ =	sdelay $0x1  }
0x46: {  	v31 =	vadd.f32 v3, v20  }
0x47: {  	v28 =	vand.u32 $0x7FF, v28;
	vm0 =	veq.f32 v21, v23;
	v21 =	vadd.f32 v3, v22  }
0x48: {  	v23 =	vsel vm0, $0x10001, v2;
	v32 =	vadd.f32 v3, v29;
	v31 =	vand.u32 $0x7FF, v31  }
0x49: {  	[tilespmem:v24+s14+$0x0] =	vst.idx.add.s32.msk $0xffff, v23;
	v23 =	vadd.f32 v3, v30;
	v21 =	vand.u32 $0x7FF, v21  }
0x4a: {  	[tilespmem:v27+s14+$0x0] =	vst.idx.add.s32.msk $0xffff, v26;
	v24 =	vand.u32 $0x7FF, v32  }
0x4b: {  	[tilespmem:v25+s15+$0x0] =	vst.idx.add.s32.msk $0xffff, v2;
	vm13 =	veq.f32 v20, v22;
	v23 =	vand.u32 $0x7FF, v23  }
0x4c: {  	[tilespmem:v28+s15+$0x0] =	vst.idx.add.s32.msk $0xffff, v2;
	v20 =	vsel vm13, $0x10001, v2  }
0x4d: {  	vm14 =	veq.f32 v29, v30;
	[tilespmem:v31+s14+$0x0] =	vst.idx.add.s32.msk $0xffff, v20  }
0x4e: {  	v20 =	vsel vm14, $0x10001, v2;
	[tilespmem:v21+s15+$0x0] =	vst.idx.add.s32.msk $0xffff, v2  }
0x4f: {  	p0 =	seq.s32 s22, $0xF;
	[tilespmem:v24+s14+$0x0] =	vst.idx.add.s32.msk $0xffff, v20  }
0x50: {  	s23 =	sshll.u32 @!p0 s22, $0x1;
	[tilespmem:v23+s15+$0x0] =	vst.idx.add.s32.msk $0xffff, v2  }
0x51: {  	s23 =	sadd.s32 @!p0 $0x2, s23;
	_ =	swait.ge [sflag:s16], $0x4000  }
0x52: {  	s24 =	sshrl.u32 @!p0 s23, $0x4;
	[sflag:s16] =	ssyncset.done $0x0  }
0x53: {  	s23 =	sshll.u32 @!p0 s23, $0xB;
	s24 =	sadd.s32 @!p0 s5, s24;
	[sflag:s16] =	ssyncadd.s32 $0xFFFFC000  }
0x54: {  	s23 =	sand.u32 @!p0 $0x7000, s23;
	s24 =	sshll.u32 @!p0 s24, $0xF;
	_ =	swait.ge [sflag:s16], $0x4000  }
0x55: {  	s23 =	sor.u32 @!p0 s23, s24;
	[sflag:s16] =	ssyncset.done $0x0  }
0x56: {  	s25 =	simm.s32 @!p0 $0x0;
	s24 =	sadd.s32 @!p0 s1, s23;
	[sflag:s16] =	ssyncadd.s32 $0xFFFFC000  }
0x57: {  	[tilespmem:s25], [sflag:$0x1] =	stream.linear.gather @!p0 [hbm4b:s24+s25], $0x4000, $0x38;
	[tilespmem:$0x11180] =	vst v63  }
0x58: {  	s23 =	sadd.s32 @!p0 s2, s23;
	s24 =	simm.s32 @!p0 $0x4000  }
0x59: {  	[tilespmem:s24], [sflag:$0x1] =	stream.linear.gather @!p0 [hbm4b:s23+s25], $0x4000, $0x38;
	[tilespmem:$0x11180] =	vst v63  }
0x5a: {  	s29 =	simm.s32 $0x0;
	s23 =	simm.s32 $0x0  }
0x5b: {  	s31 =	simm.s32 $0x0;
	s24 =	sand.u32 $0x3000, s29;
	s30 =	sand.u32 $0xC00, s23  }
0x5c: {  	s28 =	sand.u32 $0x380, s31;
	s24 =	sor.u32 s30, s24  }
0x5d: {  	s23 =	sand.u32 $0x60, s23;
	s24 =	sor.u32 s28, s24  }
0x5e: {  	s23 =	sor.u32 s23, s24  }
0x5f: {  	v21 =	vld [tilespmem:s23+$0x8010]  }
0x60: {  	v23 =	vld [tilespmem:s23+$0xC010]  }
0x61: {  	v22 =	vld [tilespmem:s23+$0x8000]  }
0x62: {  	s29 =	simm.s32 $0x20;
	v25 =	vld [tilespmem:s23+$0xC000];
	s23 =	simm.s32 $0x100  }
0x63: {  	s31 =	simm.s32 $0x8;
	s24 =	sand.u32 $0x3000, s29;
	s30 =	sand.u32 $0xC00, s23  }
0x64: {  	s26 =	sand.u32 $0x380, s31;
	s25 =	sor.u32 s30, s24;
	s24 =	simm.s32 $0x20;
	v20 =	vadd.f32 v3, v21  }
0x65: {  	s28 =	sand.u32 $0x60, s24;
	s25 =	sor.u32 s26, s25;
	v26 =	vadd.f32 v3, v23  }
0x66: {  	s26 =	sor.u32 s28, s25;
	v27 =	vadd.f32 v3, v22;
	v24 =	vand.u32 $0x7FF, v20  }
0x67: {  	vm15 =	veq.f32 v22, v25;
	v28 =	vadd.f32 v3, v25;
	v20 =	vld [tilespmem:s26+$0x8010];
	v25 =	vand.u32 $0x7FF, v26  }
0x68: {  	s25 =	simm.s32 $0x2;
	v22 =	vld [tilespmem:s26+$0xC010];
	v26 =	vsel vm15, $0x10001, v2;
	v27 =	vand.u32 $0x7FF, v27  }
.LBB2_9:
0x69: {  	s25 =	sadd.s32 $0x2, s25;
	v29 =	vld [tilespmem:s26+$0x8000];
	v28 =	vand.u32 $0x7FF, v28;
	vm0 =	veq.f32 v21, v23;
	s23 =	sadd.s32 $0x100, s23  }
0x6a: {  	s24 =	sadd.s32 $0x20, s24;
	s28 =	sshll.u32 s25, $0x4;
	p0 =	slt.u32 s25, $0x3FE;
	v30 =	vld [tilespmem:s26+$0xC000];
	v21 =	vsel vm0, $0x10001, v2  }
0x6b: {  	s29 =	sshll.u32 s25, $0x2;
	s26 =	sand.u32 $0x3000, s28;
	s28 =	sand.u32 $0xC00, s23;
	[tilespmem:v24+s14+$0x0] =	vst.idx.add.s32.msk $0xffff, v21  }
.Ltmp3:
0x6c: {  	s26 =	sor.u32 s28, s26;
	s28 =	sand.u32 $0x380, s29;
	v24 =	vadd.f32 v3, v20;
	[tilespmem:v25+s15+$0x0] =	vst.idx.add.s32.msk $0xffff, v2;
	(pc) =	sbr.rel @p0 .LBB2_9-.Ltmp3, $4  }
0x6d: {  	s29 =	sand.u32 $0x60, s24;
	s26 =	sor.u32 s28, s26;
	v25 =	vadd.f32 v3, v22;
	[tilespmem:v27+s14+$0x0] =	vst.idx.add.s32.msk $0xffff, v26;
	v21 =	vmov v20;
	v23 =	vmov v22  }
0x6e: {  	s26 =	sor.u32 s29, s26;
	v27 =	vadd.f32 v3, v29;
	v24 =	vand.u32 $0x7FF, v24;
	[tilespmem:v28+s15+$0x0] =	vst.idx.add.s32.msk $0xffff, v2  }
0x6f: {  	v20 =	vld [tilespmem:s26+$0x8010];
	vm0 =	veq.f32 v29, v30;
	v28 =	vadd.f32 v3, v30;
	v25 =	vand.u32 $0x7FF, v25  }
0x70: {  	v22 =	vld [tilespmem:s26+$0xC010];
	v26 =	vsel vm0, $0x10001, v2;
	v27 =	vand.u32 $0x7FF, v27  }
0x71: {  	v29 =	vld [tilespmem:s26+$0x8000]  }
0x72: {  	v30 =	vld [tilespmem:s26+$0xC000];
	_ =	sdelay $0x1  }
0x73: {  	v31 =	vadd.f32 v3, v20  }
0x74: {  	v28 =	vand.u32 $0x7FF, v28;
	v61 =	vadd.f32 v3, v22  }
0x75: {  	vm0 =	veq.f32 v21, v23;
	v32 =	vadd.f32 v3, v29;
	v31 =	vand.u32 $0x7FF, v31  }
0x76: {  	[tilespmem:v27+s14+$0x0] =	vst.idx.add.s32.msk $0xffff, v26;
	v23 =	vsel vm0, $0x10001, v2;
	v62 =	vadd.f32 v3, v30;
	v21 =	vand.u32 $0x7FF, v61  }
0x77: {  	s22 =	sadd.s32 $0x1, s22;
	[tilespmem:v24+s14+$0x0] =	vst.idx.add.s32.msk $0xffff, v23;
	v63 =	vand.u32 $0x7FF, v32  }
0x78: {  	p0 =	sne.s32 s22, $0x10;
	[tilespmem:v25+s15+$0x0] =	vst.idx.add.s32.msk $0xffff, v2;
	vm14 =	veq.f32 v20, v22;
	v23 =	vand.u32 $0x7FF, v62  }
.Ltmp4:
0x79: {  	[tilespmem:v28+s15+$0x0] =	vst.idx.add.s32.msk $0xffff, v2;
	v20 =	vsel vm14, $0x10001, v2;
	(pc) =	sbr.rel @p0 .LBB2_6-.Ltmp4, $4  }
0x7a: {  	vm15 =	veq.f32 v29, v30;
	[tilespmem:v31+s14+$0x0] =	vst.idx.add.s32.msk $0xffff, v20  }
0x7b: {  	v20 =	vsel vm15, $0x10001, v2;
	[tilespmem:v21+s15+$0x0] =	vst.idx.add.s32.msk $0xffff, v2  }
0x7c: {  	[tilespmem:v63+s14+$0x0] =	vst.idx.add.s32.msk $0xffff, v20  }
0x7d: {  	[tilespmem:v23+s15+$0x0] =	vst.idx.add.s32.msk $0xffff, v2  }
0x7e: {  	s21 =	simm.s32 $0x0  }
0x7f: {  	v29 =	vor.u32 s21, v5  }
0x80: {  	v24 =	vor.u32 s21, v6  }
0x81: {  	v20 =	vor.u32 s21, v1;
	v25 =	vor.u32 s21, v7  }
0x82: {  	v23 =	vand.u32 v4, v20  }
0x83: {  	v26 =	vor.u32 s21, v8  }
0x84: {  	v30 =	vor.u32 s21, v9;
	v35 =	vld.idx.msk [tilespmem:v29+s14+$0x0], $0xffff  }
0x85: {  	v32 =	vor.u32 s21, v10;
	v36 =	vld.idx.msk [tilespmem:v24+s14+$0x0], $0xffff  }
0x86: {  	v37 =	vld.idx.msk [tilespmem:v25+s14+$0x0], $0xffff  }
0x87: {  	v31 =	vor.u32 s21, v11;
	v34 =	vld.idx.msk [tilespmem:v23+s14+$0x0], $0xffff  }
0x88: {  	v22 =	vor.u32 s21, v17;
	v21 =	vor.u32 s21, v19;
	v38 =	vld.idx.msk [tilespmem:v26+s14+$0x0], $0xffff  }
0x89: {  	v33 =	vor.u32 s21, v12;
	v27 =	vor.u32 s21, v15;
	v28 =	vor.u32 s21, v16;
	v41 =	vld.idx.msk [tilespmem:v30+s14+$0x0], $0xffff  }
0x8a: {  	v20 =	vor.u32 s21, v18;
	v44 =	vld.idx.msk [tilespmem:v32+s14+$0x0], $0xffff;
	v42 =	vand.u32 $0xFFFF, v35;
	v43 =	vshrl.u32 v35, $0x10  }
0x8b: {  	v35 =	vor.u32 s21, v14;
	v62 =	vand.u32 $0xFFFF, v36;
	v36 =	vshrl.u32 v36, $0x10  }
0x8c: {  	v63 =	vld.idx.msk [tilespmem:v31+s14+$0x0], $0xffff;
	v39 =	vand.u32 $0xFFFF, v34;
	v40 =	vshrl.u32 v34, $0x10;
	v34 =	vor.u32 s21, v13  }
0x8d: {  	v47 =	vand.u32 $0xFFFF, v37;
	v37 =	vshrl.u32 v37, $0x10;
	v49 =	vand.u32 $0xFFFF, v38  }
0x8e: {  	v48 =	vld.idx.msk [tilespmem:v33+s14+$0x0], $0xffff;
	v38 =	vshrl.u32 v38, $0x10;
	v50 =	vand.u32 $0xFFFF, v41;
	v52 =	vshrl.u32 v41, $0x10  }
0x8f: {  	v56 =	vld.idx.msk [tilespmem:v27+s14+$0x0], $0xffff;
	v54 =	vand.u32 $0xFFFF, v44;
	v39 =	vadd.s32 v39, v42;
	v40 =	vadd.s32 v40, v43  }
0x90: {  	v55 =	vshrl.u32 v44, $0x10;
	v39 =	vadd.s32 v62, v39;
	v36 =	vadd.s32 v36, v40  }
0x91: {  	v57 =	vand.u32 $0xFFFF, v63;
	v39 =	vadd.s32 v47, v39;
	v36 =	vadd.s32 v37, v36;
	v51 =	vld.idx.msk [tilespmem:v34+s14+$0x0], $0xffff  }
0x92: {  	v58 =	vshrl.u32 v63, $0x10;
	v37 =	vadd.s32 v49, v39;
	v36 =	vadd.s32 v38, v36;
	v53 =	vld.idx.msk [tilespmem:v35+s14+$0x0], $0xffff  }
0x93: {  	v59 =	vand.u32 $0xFFFF, v48;
	v37 =	vadd.s32 v50, v37;
	v36 =	vadd.s32 v52, v36  }
0x94: {  	v63 =	vand.u32 $0xFFFF, v56;
	v37 =	vadd.s32 v54, v37;
	v36 =	vadd.s32 v55, v36  }
0x95: {  	v40 =	vshrl.u32 v48, $0x10;
	v37 =	vadd.s32 v57, v37;
	v36 =	vadd.s32 v58, v36  }
0x96: {  	v38 =	vld.idx.msk [tilespmem:v28+s14+$0x0], $0xffff;
	v37 =	vadd.s32 v59, v37;
	v36 =	vadd.s32 v40, v36;
	v60 =	vand.u32 $0xFFFF, v51  }
0x97: {  	v62 =	vand.u32 $0xFFFF, v53;
	v61 =	vshrl.u32 v51, $0x10;
	v41 =	vadd.s32 v60, v37;
	v37 =	vld.idx.msk [tilespmem:v22+s14+$0x0], $0xffff  }
0x98: {  	v39 =	vshrl.u32 v53, $0x10;
	v40 =	vadd.s32 v61, v36;
	v36 =	vld.idx.msk [tilespmem:v20+s14+$0x0], $0xffff;
	v42 =	vadd.s32 v62, v41  }
0x99: {  	s22 =	simm.s32 $0x11080;
	s23 =	simm.s32 $0x100;
	s21 =	simm.s32 $0x11080;
	v41 =	vadd.s32 v39, v40;
	v39 =	vld.idx.msk [tilespmem:v21+s14+$0x0], $0xffff;
	v40 =	vadd.s32 v63, v42;
	v42 =	vshrl.u32 v56, $0x10  }
.LBB2_12:
0x9a: {  	p0 =	sne.s32 s23, $0x700  }
0x9b: {  	s22 =	sadd.s32 $0x10, s22;
	s24 =	smov.u32 s23;
	s23 =	sadd.s32 $0x100, s23  }
0x9c: {  	v41 =	vadd.s32 v42, v41;
	v42 =	vand.u32 $0xFFFF, v38;
	v38 =	vshrl.u32 v38, $0x10  }
0x9d: {  	v40 =	vadd.s32 v42, v40;
	v38 =	vadd.s32 v38, v41;
	v41 =	vand.u32 $0xFFFF, v37  }
0x9e: {  	v37 =	vshrl.u32 v37, $0x10;
	v40 =	vadd.s32 v41, v40;
	v41 =	vand.u32 $0xFFFF, v36  }
0x9f: {  	v42 =	vor.u32 s24, v1;
	v37 =	vadd.s32 v37, v38;
	v38 =	vadd.s32 v41, v40  }
0xa0: {  	v40 =	vand.u32 v4, v42;
	v41 =	vor.u32 s24, v5;
	v42 =	vand.u32 $0xFFFF, v39  }
0xa1: {  	v36 =	vshrl.u32 v36, $0x10;
	v39 =	vshrl.u32 v39, $0x10;
	v38 =	vadd.s32 v42, v38  }
0xa2: {  	v36 =	vadd.s32 v36, v37;
	v42 =	vor.u32 s24, v6;
	[tilespmem:s21+$0xFFFFFF80] =	vst v38  }
0xa3: {  	v37 =	vor.u32 s24, v7;
	v36 =	vadd.s32 v39, v36  }
0xa4: {  	v38 =	vor.u32 s24, v8;
	[tilespmem:s21+$0x0] =	vst v36;
	s21 =	smov.u32 s22  }
0xa5: {  	v36 =	vld.idx.msk [tilespmem:v40+s14+$0x0], $0xffff  }
0xa6: {  	v40 =	vor.u32 s24, v9;
	v39 =	vld.idx.msk [tilespmem:v41+s14+$0x0], $0xffff  }
0xa7: {  	v41 =	vld.idx.msk [tilespmem:v42+s14+$0x0], $0xffff;
	v42 =	vor.u32 s24, v10  }
0xa8: {  	v43 =	vor.u32 s24, v11;
	v37 =	vld.idx.msk [tilespmem:v37+s14+$0x0], $0xffff  }
0xa9: {  	v44 =	vor.u32 s24, v17;
	v45 =	vor.u32 s24, v18;
	v46 =	vor.u32 s24, v19;
	v38 =	vld.idx.msk [tilespmem:v38+s14+$0x0], $0xffff  }
0xaa: {  	v47 =	vor.u32 s24, v12;
	v48 =	vor.u32 s24, v15;
	v49 =	vor.u32 s24, v16  }
0xab: {  	v51 =	vor.u32 s24, v13;
	v50 =	vand.u32 $0xFFFF, v36;
	v36 =	vshrl.u32 v36, $0x10;
	v40 =	vld.idx.msk [tilespmem:v40+s14+$0x0], $0xffff  }
0xac: {  	v53 =	vor.u32 s24, v14;
	v52 =	vand.u32 $0xFFFF, v39;
	v39 =	vshrl.u32 v39, $0x10;
	v42 =	vld.idx.msk [tilespmem:v42+s14+$0x0], $0xffff  }
0xad: {  	v50 =	vadd.s32 v50, v52;
	v36 =	vadd.s32 v36, v39;
	v39 =	vand.u32 $0xFFFF, v41;
	v43 =	vld.idx.msk [tilespmem:v43+s14+$0x0], $0xffff  }
0xae: {  	v41 =	vshrl.u32 v41, $0x10;
	v39 =	vadd.s32 v39, v50;
	v50 =	vand.u32 $0xFFFF, v37  }
0xaf: {  	v36 =	vadd.s32 v41, v36;
	v37 =	vshrl.u32 v37, $0x10;
	v39 =	vadd.s32 v50, v39;
	v41 =	vld.idx.msk [tilespmem:v47+s14+$0x0], $0xffff  }
0xb0: {  	v36 =	vadd.s32 v37, v36;
	v37 =	vand.u32 $0xFFFF, v38;
	v38 =	vshrl.u32 v38, $0x10;
	v47 =	vld.idx.msk [tilespmem:v51+s14+$0x0], $0xffff  }
0xb1: {  	v37 =	vadd.s32 v37, v39;
	v36 =	vadd.s32 v38, v36;
	v38 =	vand.u32 $0xFFFF, v40;
	v39 =	vld.idx.msk [tilespmem:v53+s14+$0x0], $0xffff  }
0xb2: {  	v37 =	vadd.s32 v38, v37;
	v38 =	vshrl.u32 v40, $0x10;
	v40 =	vand.u32 $0xFFFF, v42  }
0xb3: {  	v36 =	vadd.s32 v38, v36;
	v37 =	vadd.s32 v40, v37;
	v38 =	vshrl.u32 v42, $0x10;
	v42 =	vld.idx.msk [tilespmem:v48+s14+$0x0], $0xffff  }
0xb4: {  	v40 =	vshrl.u32 v43, $0x10;
	v36 =	vadd.s32 v38, v36;
	v38 =	vand.u32 $0xFFFF, v43  }
0xb5: {  	v37 =	vadd.s32 v38, v37;
	v36 =	vadd.s32 v40, v36;
	v38 =	vand.u32 $0xFFFF, v41  }
.Ltmp5:
0xb6: {  	v40 =	vshrl.u32 v41, $0x10;
	v37 =	vadd.s32 v38, v37;
	v41 =	vand.u32 $0xFFFF, v47;
	v38 =	vld.idx.msk [tilespmem:v49+s14+$0x0], $0xffff;
	(pc) =	sbr.rel @p0 .LBB2_12-.Ltmp5, $4  }
0xb7: {  	v36 =	vadd.s32 v40, v36;
	v40 =	vadd.s32 v41, v37;
	v41 =	vshrl.u32 v47, $0x10;
	v37 =	vld.idx.msk [tilespmem:v44+s14+$0x0], $0xffff  }
0xb8: {  	v43 =	vand.u32 $0xFFFF, v39;
	v39 =	vshrl.u32 v39, $0x10;
	v41 =	vadd.s32 v41, v36;
	v36 =	vld.idx.msk [tilespmem:v45+s14+$0x0], $0xffff  }
0xb9: {  	v40 =	vadd.s32 v43, v40;
	v41 =	vadd.s32 v39, v41;
	v39 =	vand.u32 $0xFFFF, v42  }
0xba: {  	v42 =	vshrl.u32 v42, $0x10;
	v40 =	vadd.s32 v39, v40;
	v39 =	vld.idx.msk [tilespmem:v46+s14+$0x0], $0xffff  }
0xbb: {  	v43 =	vand.u32 $0xFFFF, v38  }
0xbc: {  	v41 =	vadd.s32 v42, v41;
	v49 =	vshrl.u32 v38, $0x10;
	v40 =	vadd.s32 v43, v40  }
0xbd: {  	v38 =	vadd.s32 v49, v41;
	v50 =	vand.u32 $0xFFFF, v37;
	v51 =	vshrl.u32 v37, $0x10  }
0xbe: {  	v40 =	vadd.s32 v50, v40;
	v52 =	vand.u32 $0xFFFF, v36;
	v37 =	vadd.s32 v51, v38  }
0xbf: {  	v55 =	vshrl.u32 v36, $0x10;
	v53 =	vadd.s32 v52, v40;
	v54 =	vand.u32 $0xFFFF, v39  }
0xc0: {  	v36 =	vadd.s32 v55, v37;
	v56 =	vshrl.u32 v39, $0x10;
	v38 =	vadd.s32 v54, v53  }
0xc1: {  	v36 =	vadd.s32 v56, v36;
	[tilespmem:s21+$0xFFFFFF80] =	vst v38  }
0xc2: {  	[tilespmem:s21+$0x0] =	vst v36  }
0xc3: {  	v29 =	vld.idx.msk [tilespmem:v29+s15+$0x0], $0xffff  }
0xc4: {  	v23 =	vld.idx.msk [tilespmem:v23+s15+$0x0], $0xffff  }
0xc5: {  	v24 =	vld.idx.msk [tilespmem:v24+s15+$0x0], $0xffff  }
0xc6: {  	v25 =	vld.idx.msk [tilespmem:v25+s15+$0x0], $0xffff  }
0xc7: {  	v26 =	vld.idx.msk [tilespmem:v26+s15+$0x0], $0xffff  }
0xc8: {  	v30 =	vld.idx.msk [tilespmem:v30+s15+$0x0], $0xffff  }
0xc9: {  	v32 =	vld.idx.msk [tilespmem:v32+s15+$0x0], $0xffff;
	v23 =	vadd.s32 v23, v29  }
0xca: {  	v57 =	vld.idx.msk [tilespmem:v31+s15+$0x0], $0xffff;
	v23 =	vadd.s32 v24, v23  }
0xcb: {  	v24 =	vld.idx.msk [tilespmem:v33+s15+$0x0], $0xffff;
	v23 =	vadd.s32 v25, v23  }
0xcc: {  	v25 =	vld.idx.msk [tilespmem:v34+s15+$0x0], $0xffff;
	v23 =	vadd.s32 v26, v23  }
0xcd: {  	v26 =	vld.idx.msk [tilespmem:v35+s15+$0x0], $0xffff;
	v23 =	vadd.s32 v30, v23  }
0xce: {  	v27 =	vld.idx.msk [tilespmem:v27+s15+$0x0], $0xffff;
	v23 =	vadd.s32 v32, v23  }
0xcf: {  	v28 =	vld.idx.msk [tilespmem:v28+s15+$0x0], $0xffff;
	v23 =	vadd.s32 v57, v23  }
0xd0: {  	v22 =	vld.idx.msk [tilespmem:v22+s15+$0x0], $0xffff;
	v23 =	vadd.s32 v24, v23  }
0xd1: {  	v20 =	vld.idx.msk [tilespmem:v20+s15+$0x0], $0xffff;
	v23 =	vadd.s32 v25, v23  }
0xd2: {  	v21 =	vld.idx.msk [tilespmem:v21+s15+$0x0], $0xffff;
	v23 =	vadd.s32 v26, v23  }
0xd3: {  	s22 =	simm.s32 $0x100;
	v23 =	vadd.s32 v27, v23  }
0xd4: {  	v24 =	vor.u32 s22, v1;
	v25 =	vor.u32 s22, v5;
	v23 =	vadd.s32 v28, v23  }
0xd5: {  	v24 =	vand.u32 v4, v24;
	v22 =	vadd.s32 v22, v23  }
0xd6: {  	v23 =	vor.u32 s22, v6;
	v20 =	vadd.s32 v20, v22  }
0xd7: {  	s21 =	simm.s32 $0x11100;
	v22 =	vor.u32 s22, v7;
	v20 =	vadd.s32 v21, v20  }
0xd8: {  	v21 =	vor.u32 s22, v8;
	[tilespmem:s21+$0x0] =	vst v20  }
0xd9: {  	v20 =	vld.idx.msk [tilespmem:v25+s15+$0x0], $0xffff;
	v25 =	vor.u32 s22, v9  }
0xda: {  	v26 =	vor.u32 s22, v10;
	v24 =	vld.idx.msk [tilespmem:v24+s15+$0x0], $0xffff  }
0xdb: {  	v27 =	vor.u32 s22, v11;
	v23 =	vld.idx.msk [tilespmem:v23+s15+$0x0], $0xffff  }
0xdc: {  	v58 =	vor.u32 s22, v12;
	v22 =	vld.idx.msk [tilespmem:v22+s15+$0x0], $0xffff  }
0xdd: {  	v59 =	vor.u32 s22, v13;
	v21 =	vld.idx.msk [tilespmem:v21+s15+$0x0], $0xffff  }
0xde: {  	v60 =	vor.u32 s22, v14;
	v25 =	vld.idx.msk [tilespmem:v25+s15+$0x0], $0xffff  }
0xdf: {  	v26 =	vld.idx.msk [tilespmem:v26+s15+$0x0], $0xffff;
	v20 =	vadd.s32 v24, v20  }
0xe0: {  	v61 =	vor.u32 s22, v15;
	v24 =	vld.idx.msk [tilespmem:v27+s15+$0x0], $0xffff;
	v20 =	vadd.s32 v23, v20  }
0xe1: {  	v27 =	vor.u32 s22, v16;
	v23 =	vld.idx.msk [tilespmem:v58+s15+$0x0], $0xffff;
	v20 =	vadd.s32 v22, v20  }
0xe2: {  	v22 =	vld.idx.msk [tilespmem:v59+s15+$0x0], $0xffff;
	v20 =	vadd.s32 v21, v20;
	v21 =	vor.u32 s22, v17  }
0xe3: {  	v62 =	vld.idx.msk [tilespmem:v60+s15+$0x0], $0xffff;
	v20 =	vadd.s32 v25, v20;
	v25 =	vor.u32 s22, v18  }
0xe4: {  	v20 =	vadd.s32 v26, v20;
	v26 =	vor.u32 s22, v19  }
0xe5: {  	v63 =	vld.idx.msk [tilespmem:v61+s15+$0x0], $0xffff;
	v20 =	vadd.s32 v24, v20  }
0xe6: {  	v27 =	vld.idx.msk [tilespmem:v27+s15+$0x0], $0xffff;
	v20 =	vadd.s32 v23, v20  }
0xe7: {  	v22 =	vadd.s32 v22, v20;
	v20 =	vld.idx.msk [tilespmem:v21+s15+$0x0], $0xffff  }
0xe8: {  	v21 =	vadd.s32 v62, v22;
	v22 =	vld.idx.msk [tilespmem:v25+s15+$0x0], $0xffff  }
0xe9: {  	v23 =	vld.idx.msk [tilespmem:v26+s15+$0x0], $0xffff  }
0xea: {  	s22 =	simm.s32 $0x200;
	v25 =	vadd.s32 v63, v21  }
0xeb: {  	s23 =	simm.s32 $0x300;
	v24 =	vor.u32 s22, v1;
	v21 =	vor.u32 s22, v5;
	v25 =	vadd.s32 v27, v25  }
.LBB2_14:
0xec: {  	p0 =	sne.s32 s23, $0x700;
	v24 =	vand.u32 v4, v24;
	v20 =	vadd.s32 v20, v25  }
0xed: {  	v25 =	vor.u32 s22, v6;
	v20 =	vadd.s32 v22, v20  }
0xee: {  	s21 =	sadd.s32 $0x10, s21;
	v22 =	vor.u32 s22, v7;
	v20 =	vadd.s32 v23, v20  }
0xef: {  	v23 =	vor.u32 s22, v8;
	[tilespmem:s21+$0x0] =	vst v20  }
0xf0: {  	v20 =	vld.idx.msk [tilespmem:v21+s15+$0x0], $0xffff;
	v21 =	vor.u32 s22, v9  }
0xf1: {  	v26 =	vor.u32 s22, v10;
	v24 =	vld.idx.msk [tilespmem:v24+s15+$0x0], $0xffff  }
0xf2: {  	v27 =	vor.u32 s22, v11;
	v25 =	vld.idx.msk [tilespmem:v25+s15+$0x0], $0xffff  }
0xf3: {  	v28 =	vor.u32 s22, v12;
	v22 =	vld.idx.msk [tilespmem:v22+s15+$0x0], $0xffff  }
0xf4: {  	v29 =	vor.u32 s22, v13;
	v23 =	vld.idx.msk [tilespmem:v23+s15+$0x0], $0xffff  }
0xf5: {  	v30 =	vor.u32 s22, v14;
	v21 =	vld.idx.msk [tilespmem:v21+s15+$0x0], $0xffff  }
0xf6: {  	v31 =	vor.u32 s22, v15;
	v26 =	vld.idx.msk [tilespmem:v26+s15+$0x0], $0xffff  }
0xf7: {  	v20 =	vadd.s32 v24, v20;
	v24 =	vld.idx.msk [tilespmem:v27+s15+$0x0], $0xffff;
	v27 =	vor.u32 s22, v16  }
0xf8: {  	v20 =	vadd.s32 v25, v20;
	v25 =	vld.idx.msk [tilespmem:v28+s15+$0x0], $0xffff;
	v28 =	vor.u32 s22, v17  }
0xf9: {  	v20 =	vadd.s32 v22, v20;
	v22 =	vor.u32 s22, v18;
	v29 =	vld.idx.msk [tilespmem:v29+s15+$0x0], $0xffff  }
0xfa: {  	v20 =	vadd.s32 v23, v20;
	v23 =	vor.u32 s22, v19;
	s22 =	smov.u32 s23;
	v30 =	vld.idx.msk [tilespmem:v30+s15+$0x0], $0xffff  }
0xfb: {  	v20 =	vadd.s32 v21, v20;
	v21 =	vld.idx.msk [tilespmem:v31+s15+$0x0], $0xffff  }
0xfc: {  	v20 =	vadd.s32 v26, v20;
	v26 =	vld.idx.msk [tilespmem:v27+s15+$0x0], $0xffff  }
0xfd: {  	v24 =	vadd.s32 v24, v20;
	v20 =	vld.idx.msk [tilespmem:v28+s15+$0x0], $0xffff  }
.Ltmp6:
0xfe: {  	v24 =	vadd.s32 v25, v24;
	v22 =	vld.idx.msk [tilespmem:v22+s15+$0x0], $0xffff;
	(pc) =	sbr.rel @p0 .LBB2_14-.Ltmp6, $4  }
0xff: {  	v24 =	vadd.s32 v29, v24;
	v23 =	vld.idx.msk [tilespmem:v23+s15+$0x0], $0xffff  }
0x100: {  	v24 =	vadd.s32 v30, v24  }
0x101: {  	v25 =	vadd.s32 v21, v24  }
0x102: {  	s23 =	sadd.s32 $0x100, s23;
	v24 =	vor.u32 s22, v1;
	v21 =	vor.u32 s22, v5;
	v25 =	vadd.s32 v26, v25  }
0x103: {  	v24 =	vand.u32 v4, v24;
	v20 =	vadd.s32 v20, v25  }
0x104: {  	v47 =	vor.u32 s22, v6;
	v20 =	vadd.s32 v22, v20  }
0x105: {  	v48 =	vor.u32 s22, v7;
	s21 =	sadd.s32 $0x10, s21;
	v20 =	vadd.s32 v23, v20  }
0x106: {  	v49 =	vor.u32 s22, v8;
	[tilespmem:s21+$0x0] =	vst v20  }
0x107: {  	v50 =	vor.u32 s22, v9;
	v20 =	vld.idx.msk [tilespmem:v21+s15+$0x0], $0xffff  }
0x108: {  	v26 =	vor.u32 s22, v10;
	v24 =	vld.idx.msk [tilespmem:v24+s15+$0x0], $0xffff  }
0x109: {  	v27 =	vor.u32 s22, v11;
	v25 =	vld.idx.msk [tilespmem:v47+s15+$0x0], $0xffff  }
0x10a: {  	v28 =	vor.u32 s22, v12;
	v22 =	vld.idx.msk [tilespmem:v48+s15+$0x0], $0xffff  }
0x10b: {  	v29 =	vor.u32 s22, v13;
	v23 =	vld.idx.msk [tilespmem:v49+s15+$0x0], $0xffff  }
0x10c: {  	v30 =	vor.u32 s22, v14;
	v21 =	vld.idx.msk [tilespmem:v50+s15+$0x0], $0xffff  }
0x10d: {  	v31 =	vor.u32 s22, v15;
	v26 =	vld.idx.msk [tilespmem:v26+s15+$0x0], $0xffff;
	v20 =	vadd.s32 v24, v20  }
0x10e: {  	v52 =	vor.u32 s22, v16;
	v51 =	vld.idx.msk [tilespmem:v27+s15+$0x0], $0xffff;
	v20 =	vadd.s32 v25, v20  }
0x10f: {  	v54 =	vor.u32 s22, v17;
	v53 =	vld.idx.msk [tilespmem:v28+s15+$0x0], $0xffff;
	v20 =	vadd.s32 v22, v20  }
0x110: {  	v56 =	vor.u32 s22, v18;
	v55 =	vld.idx.msk [tilespmem:v29+s15+$0x0], $0xffff;
	v20 =	vadd.s32 v23, v20  }
0x111: {  	v58 =	vor.u32 s22, v19;
	v57 =	vld.idx.msk [tilespmem:v30+s15+$0x0], $0xffff;
	v20 =	vadd.s32 v21, v20  }
0x112: {  	v59 =	vld.idx.msk [tilespmem:v31+s15+$0x0], $0xffff;
	v20 =	vadd.s32 v26, v20  }
0x113: {  	v60 =	vld.idx.msk [tilespmem:v52+s15+$0x0], $0xffff;
	v20 =	vadd.s32 v51, v20  }
0x114: {  	v61 =	vld.idx.msk [tilespmem:v54+s15+$0x0], $0xffff;
	v20 =	vadd.s32 v53, v20  }
0x115: {  	v62 =	vld.idx.msk [tilespmem:v56+s15+$0x0], $0xffff;
	v20 =	vadd.s32 v55, v20  }
0x116: {  	v63 =	vld.idx.msk [tilespmem:v58+s15+$0x0], $0xffff;
	v20 =	vadd.s32 v57, v20  }
0x117: {  	v20 =	vadd.s32 v59, v20  }
0x118: {  	v20 =	vadd.s32 v60, v20  }
0x119: {  	v20 =	vadd.s32 v61, v20  }
0x11a: {  	s4 =	sadd.s32 $0x1, s4;
	v20 =	vadd.s32 v62, v20  }
0x11b: {  	p0 =	sne.s32 s4, s9;
	s21 =	sadd.s32 $0x10, s21;
	v20 =	vadd.s32 v63, v20  }
.Ltmp7:
0x11c: {  	[tilespmem:s21+$0x0] =	vst v20;
	(pc) =	sbr.rel @p0 .LBB2_1-.Ltmp7, $4  }
0x11d: {  	[hbm4b:s8+s17] =	stream.strided.scatter [tilespmem:s19], [sflag:$0x3], $0x180, s18, s17, $0x38;
	[tilespmem:$0x11180] =	vst v63  }
0x11e: {  	_ =	swait.ge [sflag:s20], $0x180  }
0x11f: {  	[sflag:s20] =	ssyncset.done $0x0  }
0x120: {  	[sflag:s20] =	ssyncadd.s32 $0xFFFFFE80  }
0x121: {  	_ =	sfence.sel $0x180000  }
0x122: {  	[bflag:$0x0] =	sbarrier.arrive $0xFFFF  }
0x123: {  	p0 =	sne.s32 s0, $0x0;
	_ =	strace $0x90000047  }
0x124: {  	s0 =	sadd.s32 @!p0 $0x100000, s3;
	[bflag:$0x2] =	sbarrier.arrive $0xFFFF  }
0x125: {  	[sflag:s0] =	ssyncadd.tile.s32 @!p0 $0x1;
	_ =	shalt  }
.Lfunc_end2:
_tile_overlayer_lowered:
.L_overlay_start_2:
0x126: {  	(tag) =	ssettag $0x2  }
0x127: {  	s0 =	rddreg [dreg:$0x0];
	s2 =	stileid.u32  }
0x128: {  	s1 =	rddreg [dreg:$0x1];
	p0 =	sne.s32 s2, $0x0  }
0x129: {  	s3 =	rddreg [dreg:$0x2];
	[bflag:$0x3] =	sbarrier.arrive $0xFFFF;
	s2 =	simm.s32 @!p0 $0x1C03  }
0x12a: {  	[timem:s3], [sflag:s2] =	dma.local @!p0 [hbm:s0], s1  }
0x12b: {  	s0 =	simm.s32 @!p0 $0x3  }
0x12c: {  	_ =	swait.ge @!p0 [sflag:s0], s1  }
0x12d: {  	s1 =	ssub.s32 @!p0 $0x0, s1;
	[sflag:s0] =	ssyncset.done @!p0 $0x0  }
0x12e: {  	[sflag:s0] =	ssyncadd.s32 @!p0 s1  }
0x12f: {  	[bflag:$0x3] =	sbarrier.arrive $0xFFFF  }
0x130: {  	_ =	shalt  }

</sc_bundles>
